<compile_context>
chip_gen: v7x
topology: tpu7x:2x2x1
jax: 0.10.2.dev20260603
libtpu: 0.0.44.dev20260713+nightly
codegen_flags: <defaults>
</compile_context>

<pallas_src>
import functools

import jax
import jax.numpy as jnp
from jax import lax
from jax.experimental import pallas as pl
from jax.experimental.pallas import tpu as pltpu
from jax.experimental.pallas import tpu_sc as plsc

N = 10000
E = 320000
INP = 128
EMB = 64

NC = 2
NS = 16
NW = NC * NS
EPW = E // NW
CHUNK = 125
NCHUNK = EPW // CHUNK
RPT = 624
TAIL = N - RPT * NS

@functools.cache
def _make_spmm_sc():
    mesh = plsc.VectorSubcoreMesh(
        core_axis_name="c", subcore_axis_name="s",
        num_cores=NC, num_subcores=NS)

    @functools.partial(
        pl.kernel,
        out_type=jax.ShapeDtypeStruct((NC, N, EMB), jnp.float32),
        mesh=mesh,
        scratch_types=[
            pltpu.MemorySpace.VMEM_SHARED((N, EMB), jnp.float32),
            pltpu.VMEM((NCHUNK, CHUNK), jnp.int32),
            pltpu.VMEM((NCHUNK, CHUNK), jnp.int32),
            [pltpu.VMEM((CHUNK, EMB), jnp.float32)] * 4,
            [pltpu.SemaphoreType.DMA] * 4,
            [pltpu.SemaphoreType.DMA] * 4,
        ],
        compiler_params=pltpu.CompilerParams(use_tc_tiling_on_sc=False),
    )
    def _spmm_sc(h_hbm, src_hbm, dst_hbm, zeros_hbm, out_hbm,
                 acc, srcv, dstv, rows, gsem, ssem):
        c = lax.axis_index("c")
        s = lax.axis_index("s")
        wid = c * NS + s

        row0 = pl.multiple_of(s * RPT, 8)
        pltpu.sync_copy(zeros_hbm.at[pl.ds(0, RPT)], acc.at[pl.ds(row0, RPT)])

        @pl.when(s == 0)
        def _zero_tail():
            pltpu.sync_copy(zeros_hbm.at[pl.ds(0, TAIL)],
                            acc.at[pl.ds(RPT * NS, TAIL)])
        pltpu.sync_copy(src_hbm.at[wid], srcv)
        pltpu.sync_copy(dst_hbm.at[wid], dstv)
        plsc.subcore_barrier()

        def start_gather(b, j):
            del b, j

        def wait_gather(b, j):
            del b, j

        def start_scatter(b, j):
            del b, j

        def wait_scatter(b, j):
            del b, j

        start_gather(0, 0)
        start_gather(1, 1)

        def body(j4, carry):
            for i in range(4):
                j = j4 * 4 + i
                bn = (i + 2) % 4

                @pl.when(jnp.logical_and(j >= 2, j + 2 < NCHUNK))
                def _drain(bn=bn, j=j):
                    wait_scatter(bn, j - 2)

                @pl.when(j + 2 < NCHUNK)
                def _prefetch(bn=bn, j=j):
                    start_gather(bn, j + 2)

                wait_gather(i, j)
                start_scatter(i, j)
            return carry

        lax.fori_loop(0, NCHUNK // 4, body, 0)
        wait_scatter(2, NCHUNK - 2)
        wait_scatter(3, NCHUNK - 1)

        plsc.subcore_barrier()
        pltpu.sync_copy(acc.at[pl.ds(row0, RPT)],
                        out_hbm.at[c].at[pl.ds(row0, RPT)])

        @pl.when(s == 0)
        def _dump_tail():
            pltpu.sync_copy(acc.at[pl.ds(RPT * NS, TAIL)],
                            out_hbm.at[c].at[pl.ds(RPT * NS, TAIL)])

    return _spmm_sc


def _emb_body(x_ref, w_ref, o_ref):
    o_ref[...] = jnp.dot(x_ref[...], w_ref[...],
                         preferred_element_type=jnp.float32)


def _layer0_body(p_ref, w_ref, b_ref, o_ref):
    agg = p_ref[0] + p_ref[1]
    o_ref[...] = jnp.maximum(
        jnp.dot(agg, w_ref[...], preferred_element_type=jnp.float32)
        + b_ref[...], 0.0)


def _layer_res_body(p_ref, w_ref, b_ref, h_ref, o_ref):
    agg = p_ref[0] + p_ref[1]
    o_ref[...] = jnp.maximum(
        jnp.dot(agg, w_ref[...], preferred_element_type=jnp.float32)
        + b_ref[...], 0.0) + h_ref[...]


def _layer_res_readout_body(p_ref, w_ref, b_ref, h_ref, o_ref, r_ref):
    agg = p_ref[0] + p_ref[1]
    out = jnp.maximum(
        jnp.dot(agg, w_ref[...], preferred_element_type=jnp.float32)
        + b_ref[...], 0.0) + h_ref[...]
    o_ref[...] = out
    r_ref[...] = jnp.sum(out, axis=0, keepdims=True)


def kernel(x, edge_index, W_emb, W0, b0, W1, b1, W2, b2):
    src = edge_index[0].reshape(NW, NCHUNK, CHUNK)
    dst = edge_index[1].reshape(NW, NCHUNK, CHUNK)
    zeros = jnp.zeros((RPT, EMB), jnp.float32)
    _spmm_sc = _make_spmm_sc()

    h = pl.pallas_call(
        _emb_body,
        out_shape=jax.ShapeDtypeStruct((N, EMB), jnp.float32),
    )(x, W_emb)

    f32 = jnp.float32
    b0 = b0.reshape(1, EMB)
    b1 = b1.reshape(1, EMB)
    b2 = b2.reshape(1, EMB)

    parts = _spmm_sc(h, src, dst, zeros)
    h = pl.pallas_call(
        _layer0_body,
        out_shape=jax.ShapeDtypeStruct((N, EMB), f32),
    )(parts, W0, b0)

    parts = _spmm_sc(h, src, dst, zeros)
    h = pl.pallas_call(
        _layer_res_body,
        out_shape=jax.ShapeDtypeStruct((N, EMB), f32),
    )(parts, W1, b1, h)

    parts = _spmm_sc(h, src, dst, zeros)
    h, readout = pl.pallas_call(
        _layer_res_readout_body,
        out_shape=(jax.ShapeDtypeStruct((N, EMB), f32),
                   jax.ShapeDtypeStruct((1, EMB), f32)),
    )(parts, W2, b2, h)

    return h, readout.reshape(EMB)

# --- scband reference (transcript-rebuilt; emitter-appended) ---
"""Pipeline reference for scband-encoder-59708635349234 (READ-ONLY COPY).

The authoritative reference and input builder live on the scoring server;
editing this copy changes nothing except your own understanding.
"""

import jax, jax.numpy as jnp
import numpy as np

N = 10000
E = 320000
INP = 128
EMB = 64

def setup_inputs(seed: int = 0) -> dict:
    key = jax.random.key(seed)
    ks = jax.random.split(key, 10)
    x = jax.random.normal(ks[0], (N, INP), dtype=jnp.float32)
    edge_index = jax.random.randint(ks[1], (2, E), 0, N, dtype=jnp.int32)
    # learned parameters
    W_emb = jax.random.normal(ks[2], (INP, EMB), dtype=jnp.float32) / np.sqrt(INP)
    W0 = jax.random.normal(ks[3], (EMB, EMB), dtype=jnp.float32) / np.sqrt(EMB)
    b0 = jnp.zeros((EMB,), dtype=jnp.float32)
    W1 = jax.random.normal(ks[4], (EMB, EMB), dtype=jnp.float32) / np.sqrt(EMB)
    b1 = jnp.zeros((EMB,), dtype=jnp.float32)
    W2 = jax.random.normal(ks[5], (EMB, EMB), dtype=jnp.float32) / np.sqrt(EMB)
    b2 = jnp.zeros((EMB,), dtype=jnp.float32)
    return {"x": x, "edge_index": edge_index, "W_emb": W_emb,
            "W0": W0, "b0": b0, "W1": W1, "b1": b1, "W2": W2, "b2": b2}


def _gcn_layer(h, src, dst, W, b, residual):
    # message passing: gather source features, sum-aggregate at destination
    msgs = h[src]
    agg = jax.ops.segment_sum(msgs, dst, num_segments=N)
    out = jax.nn.relu(agg @ W + b)
    if residual:
        out = out + h
    return out


def reference(x, edge_index, W_emb, W0, b0, W1, b1, W2, b2):
    src = edge_index[0]
    dst = edge_index[1]
    # emb_linear (no bias)
    h = x @ W_emb
    # 3 GCN layers: first without residual, rest with residual
    h = _gcn_layer(h, src, dst, W0, b0, residual=False)
    h = _gcn_layer(h, src, dst, W1, b1, residual=True)
    h = _gcn_layer(h, src, dst, W2, b2, residual=True)
    # SumPooling readout over all nodes (single graph)
    readout = jnp.sum(h, axis=0)
    return h, readout

if __name__ == "__main__":
    import jax
    _d = setup_inputs()
    print(jax.jit(kernel)(*tuple(_d.values())))

</pallas_src>

<mosaic_0001>
#map = affine_map<(d0, d1) -> (0, 0)>
#map1 = affine_map<(d0, d1) -> (0, 0, 0)>
module attributes {stable_mosaic.version = 14 : i64} {
  func.func @_spmm_sc(%arg0: i32, %arg1: i32, %arg2: memref<10000x64xf32, #tpu.memory_space<hbm>>, %arg3: memref<32x80x125xi32, #tpu.memory_space<hbm>>, %arg4: memref<32x80x125xi32, #tpu.memory_space<hbm>>, %arg5: memref<624x64xf32, #tpu.memory_space<hbm>>, %arg6: memref<2x10000x64xf32, #tpu.memory_space<hbm>>, %arg7: memref<10000x64xf32, #tpu.memory_space<vmem_shared>>, %arg8: memref<80x125xi32, #tpu.memory_space<vmem>>, %arg9: memref<80x125xi32, #tpu.memory_space<vmem>>, %arg10: memref<125x64xf32, #tpu.memory_space<vmem>>, %arg11: memref<125x64xf32, #tpu.memory_space<vmem>>, %arg12: memref<125x64xf32, #tpu.memory_space<vmem>>, %arg13: memref<125x64xf32, #tpu.memory_space<vmem>>, %arg14: memref<!tpu.dma_semaphore, #tpu.memory_space<semaphore_mem>>, %arg15: memref<!tpu.dma_semaphore, #tpu.memory_space<semaphore_mem>>, %arg16: memref<!tpu.dma_semaphore, #tpu.memory_space<semaphore_mem>>, %arg17: memref<!tpu.dma_semaphore, #tpu.memory_space<semaphore_mem>>, %arg18: memref<!tpu.dma_semaphore, #tpu.memory_space<semaphore_mem>>, %arg19: memref<!tpu.dma_semaphore, #tpu.memory_space<semaphore_mem>>, %arg20: memref<!tpu.dma_semaphore, #tpu.memory_space<semaphore_mem>>, %arg21: memref<!tpu.dma_semaphore, #tpu.memory_space<semaphore_mem>>) attributes {dimension_semantics = [#tpu.dimension_semantics<core_parallel>, #tpu.dimension_semantics<subcore_parallel>], iteration_bounds = array<i64: 2, 16>, scalar_prefetch = 0 : i64, scratch_operands = 15 : i64, tpu.core_type = #tpu.core_type<sc_vector_subcore>, window_params = [{transform_indices = #map}, {transform_indices = #map1}, {transform_indices = #map1}, {transform_indices = #map}, {transform_indices = #map1}]} {
    %mul3A = arith.constant 16 : i32
    %mul3A_0 = arith.muli %arg0, %mul3A : i32
    %add3A = arith.addi %mul3A_0, %arg1 : i32
    %mul3A_1 = arith.constant 624 : i32
    %mul3A_2 = arith.muli %arg1, %mul3A_1 : i32
    %multiple_of3A = tpu.assume_multiple %mul3A_2, 8 : i32
    "tpu.region"() ({
      %run_scoped3A = tpu.sem_alloc : memref<!tpu.dma_semaphore, #tpu.memory_space<semaphore_mem>>
      %dma_start3A = arith.constant 0 : i32
      %dma_start3A_16 = tpu.memref_slice %arg7[%multiple_of3A, %dma_start3A] : memref<10000x64xf32, #tpu.memory_space<vmem_shared>> -> memref<624x64xf32, #tpu.memory_space<vmem_shared>>
      %dma_start3A_17 = arith.constant 0 : i32
      %dma_start3A_18 = arith.constant 0 : i32
      %dma_start3A_19 = tpu.memref_slice %arg5[%dma_start3A_17, %dma_start3A_18] : memref<624x64xf32, #tpu.memory_space<hbm>> -> memref<624x64xf32, #tpu.memory_space<hbm>>
      tpu.enqueue_dma source(%dma_start3A_19 : memref<624x64xf32, #tpu.memory_space<hbm>>) target(%dma_start3A_16 : memref<624x64xf32, #tpu.memory_space<vmem_shared>>) target_semaphore(%run_scoped3A : memref<!tpu.dma_semaphore, #tpu.memory_space<semaphore_mem>>)
      %dma_wait3A = arith.constant 0 : i32
      %dma_wait3A_20 = tpu.memref_slice %arg7[%multiple_of3A, %dma_wait3A] : memref<10000x64xf32, #tpu.memory_space<vmem_shared>> -> memref<624x64xf32, #tpu.memory_space<vmem_shared>>
      %dma_wait3A_21 = arith.constant 0 : i32
      %dma_wait3A_22 = arith.constant 0 : i32
      %dma_wait3A_23 = tpu.memref_slice %arg5[%dma_wait3A_21, %dma_wait3A_22] : memref<624x64xf32, #tpu.memory_space<hbm>> -> memref<624x64xf32, #tpu.memory_space<hbm>>
      tpu.wait_dma2 semaphore(%run_scoped3A : memref<!tpu.dma_semaphore, #tpu.memory_space<semaphore_mem>>) src(%dma_wait3A_23 : memref<624x64xf32, #tpu.memory_space<hbm>>) dst(%dma_wait3A_20 : memref<624x64xf32, #tpu.memory_space<vmem_shared>>)
      tpu.yield
    }) : () -> ()
    %eq3A = arith.constant 0 : i32
    %eq3A_3 = arith.cmpi eq, %arg1, %eq3A : i32
    %convert_element_type3A = arith.extui %eq3A_3 : i1 to i32
    %cond3A = arith.constant 0 : i32
    %cond3A_4 = arith.cmpi ne, %convert_element_type3A, %cond3A : i32
    scf.if %cond3A_4 {
      "tpu.region"() ({
        %run_scoped3A = tpu.sem_alloc : memref<!tpu.dma_semaphore, #tpu.memory_space<semaphore_mem>>
        %dma_start3A = arith.constant 9984 : i32
        %dma_start3A_16 = arith.constant 0 : i32
        %dma_start3A_17 = tpu.memref_slice %arg7[%dma_start3A, %dma_start3A_16] : memref<10000x64xf32, #tpu.memory_space<vmem_shared>> -> memref<16x64xf32, #tpu.memory_space<vmem_shared>>
        %dma_start3A_18 = arith.constant 0 : i32
        %dma_start3A_19 = arith.constant 0 : i32
        %dma_start3A_20 = tpu.memref_slice %arg5[%dma_start3A_18, %dma_start3A_19] : memref<624x64xf32, #tpu.memory_space<hbm>> -> memref<16x64xf32, #tpu.memory_space<hbm>>
        tpu.enqueue_dma source(%dma_start3A_20 : memref<16x64xf32, #tpu.memory_space<hbm>>) target(%dma_start3A_17 : memref<16x64xf32, #tpu.memory_space<vmem_shared>>) target_semaphore(%run_scoped3A : memref<!tpu.dma_semaphore, #tpu.memory_space<semaphore_mem>>)
        %dma_wait3A = arith.constant 9984 : i32
        %dma_wait3A_21 = arith.constant 0 : i32
        %dma_wait3A_22 = tpu.memref_slice %arg7[%dma_wait3A, %dma_wait3A_21] : memref<10000x64xf32, #tpu.memory_space<vmem_shared>> -> memref<16x64xf32, #tpu.memory_space<vmem_shared>>
        %dma_wait3A_23 = arith.constant 0 : i32
        %dma_wait3A_24 = arith.constant 0 : i32
        %dma_wait3A_25 = tpu.memref_slice %arg5[%dma_wait3A_23, %dma_wait3A_24] : memref<624x64xf32, #tpu.memory_space<hbm>> -> memref<16x64xf32, #tpu.memory_space<hbm>>
        tpu.wait_dma2 semaphore(%run_scoped3A : memref<!tpu.dma_semaphore, #tpu.memory_space<semaphore_mem>>) src(%dma_wait3A_25 : memref<16x64xf32, #tpu.memory_space<hbm>>) dst(%dma_wait3A_22 : memref<16x64xf32, #tpu.memory_space<vmem_shared>>)
        tpu.yield
      }) : () -> ()
    } else {
    }
    "tpu.region"() ({
      %run_scoped3A = tpu.sem_alloc : memref<!tpu.dma_semaphore, #tpu.memory_space<semaphore_mem>>
      %dma_start3A = arith.constant 0 : i32
      %dma_start3A_16 = arith.constant 0 : i32
      %dma_start3A_17 = tpu.memref_slice %arg3[%add3A, %dma_start3A, %dma_start3A_16] : memref<32x80x125xi32, #tpu.memory_space<hbm>> -> memref<1x80x125xi32, #tpu.memory_space<hbm>>
      %dma_start3A_18 = tpu.memref_squeeze %dma_start3A_17 : memref<1x80x125xi32, #tpu.memory_space<hbm>> -> memref<80x125xi32, #tpu.memory_space<hbm>>
      %dma_start3A_19 = arith.constant 0 : i32
      %dma_start3A_20 = arith.constant 0 : i32
      %dma_start3A_21 = tpu.memref_slice %arg3[%add3A, %dma_start3A_19, %dma_start3A_20] : memref<32x80x125xi32, #tpu.memory_space<hbm>> -> memref<1x80x125xi32, #tpu.memory_space<hbm>>
      %dma_start3A_22 = tpu.memref_squeeze %dma_start3A_21 : memref<1x80x125xi32, #tpu.memory_space<hbm>> -> memref<80x125xi32, #tpu.memory_space<hbm>>
      tpu.enqueue_dma source(%dma_start3A_22 : memref<80x125xi32, #tpu.memory_space<hbm>>) target(%arg8 : memref<80x125xi32, #tpu.memory_space<vmem>>) target_semaphore(%run_scoped3A : memref<!tpu.dma_semaphore, #tpu.memory_space<semaphore_mem>>)
      %dma_wait3A = arith.constant 0 : i32
      %dma_wait3A_23 = arith.constant 0 : i32
      %dma_wait3A_24 = tpu.memref_slice %arg3[%add3A, %dma_wait3A, %dma_wait3A_23] : memref<32x80x125xi32, #tpu.memory_space<hbm>> -> memref<1x80x125xi32, #tpu.memory_space<hbm>>
      %dma_wait3A_25 = tpu.memref_squeeze %dma_wait3A_24 : memref<1x80x125xi32, #tpu.memory_space<hbm>> -> memref<80x125xi32, #tpu.memory_space<hbm>>
      %dma_wait3A_26 = arith.constant 0 : i32
      %dma_wait3A_27 = arith.constant 0 : i32
      %dma_wait3A_28 = tpu.memref_slice %arg3[%add3A, %dma_wait3A_26, %dma_wait3A_27] : memref<32x80x125xi32, #tpu.memory_space<hbm>> -> memref<1x80x125xi32, #tpu.memory_space<hbm>>
      %dma_wait3A_29 = tpu.memref_squeeze %dma_wait3A_28 : memref<1x80x125xi32, #tpu.memory_space<hbm>> -> memref<80x125xi32, #tpu.memory_space<hbm>>
      tpu.wait_dma2 semaphore(%run_scoped3A : memref<!tpu.dma_semaphore, #tpu.memory_space<semaphore_mem>>) src(%dma_wait3A_29 : memref<80x125xi32, #tpu.memory_space<hbm>>) dst(%arg8 : memref<80x125xi32, #tpu.memory_space<vmem>>)
      tpu.yield
    }) : () -> ()
    "tpu.region"() ({
      %run_scoped3A = tpu.sem_alloc : memref<!tpu.dma_semaphore, #tpu.memory_space<semaphore_mem>>
      %dma_start3A = arith.constant 0 : i32
      %dma_start3A_16 = arith.constant 0 : i32
      %dma_start3A_17 = tpu.memref_slice %arg4[%add3A, %dma_start3A, %dma_start3A_16] : memref<32x80x125xi32, #tpu.memory_space<hbm>> -> memref<1x80x125xi32, #tpu.memory_space<hbm>>
      %dma_start3A_18 = tpu.memref_squeeze %dma_start3A_17 : memref<1x80x125xi32, #tpu.memory_space<hbm>> -> memref<80x125xi32, #tpu.memory_space<hbm>>
      %dma_start3A_19 = arith.constant 0 : i32
      %dma_start3A_20 = arith.constant 0 : i32
      %dma_start3A_21 = tpu.memref_slice %arg4[%add3A, %dma_start3A_19, %dma_start3A_20] : memref<32x80x125xi32, #tpu.memory_space<hbm>> -> memref<1x80x125xi32, #tpu.memory_space<hbm>>
      %dma_start3A_22 = tpu.memref_squeeze %dma_start3A_21 : memref<1x80x125xi32, #tpu.memory_space<hbm>> -> memref<80x125xi32, #tpu.memory_space<hbm>>
      tpu.enqueue_dma source(%dma_start3A_22 : memref<80x125xi32, #tpu.memory_space<hbm>>) target(%arg9 : memref<80x125xi32, #tpu.memory_space<vmem>>) target_semaphore(%run_scoped3A : memref<!tpu.dma_semaphore, #tpu.memory_space<semaphore_mem>>)
      %dma_wait3A = arith.constant 0 : i32
      %dma_wait3A_23 = arith.constant 0 : i32
      %dma_wait3A_24 = tpu.memref_slice %arg4[%add3A, %dma_wait3A, %dma_wait3A_23] : memref<32x80x125xi32, #tpu.memory_space<hbm>> -> memref<1x80x125xi32, #tpu.memory_space<hbm>>
      %dma_wait3A_25 = tpu.memref_squeeze %dma_wait3A_24 : memref<1x80x125xi32, #tpu.memory_space<hbm>> -> memref<80x125xi32, #tpu.memory_space<hbm>>
      %dma_wait3A_26 = arith.constant 0 : i32
      %dma_wait3A_27 = arith.constant 0 : i32
      %dma_wait3A_28 = tpu.memref_slice %arg4[%add3A, %dma_wait3A_26, %dma_wait3A_27] : memref<32x80x125xi32, #tpu.memory_space<hbm>> -> memref<1x80x125xi32, #tpu.memory_space<hbm>>
      %dma_wait3A_29 = tpu.memref_squeeze %dma_wait3A_28 : memref<1x80x125xi32, #tpu.memory_space<hbm>> -> memref<80x125xi32, #tpu.memory_space<hbm>>
      tpu.wait_dma2 semaphore(%run_scoped3A : memref<!tpu.dma_semaphore, #tpu.memory_space<semaphore_mem>>) src(%dma_wait3A_29 : memref<80x125xi32, #tpu.memory_space<hbm>>) dst(%arg9 : memref<80x125xi32, #tpu.memory_space<vmem>>)
      tpu.yield
    }) : () -> ()
    %barrier3A = arith.constant 0 : index
    tpu.barrier barrier_id(%barrier3A)
    %scan3A = arith.constant 0 : i32
    %scan3A_5 = arith.constant 0 : i32
    %scan3A_6 = arith.constant 20 : i32
    %scan3A_7 = arith.addi %scan3A_5, %scan3A_6 : i32
    %scan3A_8 = arith.constant 1 : i32
    scf.for %scan3A_16 = %scan3A_5 to %scan3A_7 step %scan3A_8  : i32 {
      %mul3A_17 = arith.constant 4 : i32
      %mul3A_18 = arith.muli %scan3A_16, %mul3A_17 : i32
      %add3A_19 = arith.constant 0 : i32
      %add3A_20 = arith.addi %mul3A_18, %add3A_19 : i32
      %ge3A = arith.constant 2 : i32
      %ge3A_21 = arith.cmpi sge, %add3A_20, %ge3A : i32
      %add3A_22 = arith.constant 2 : i32
      %add3A_23 = arith.addi %add3A_20, %add3A_22 : i32
      %lt3A = arith.constant 80 : i32
      %lt3A_24 = arith.cmpi slt, %add3A_23, %lt3A : i32
      %and3A = arith.andi %ge3A_21, %lt3A_24 : i1
      %convert_element_type3A_25 = arith.extui %and3A : i1 to i32
      %cond3A_26 = arith.constant 0 : i32
      %cond3A_27 = arith.cmpi ne, %convert_element_type3A_25, %cond3A_26 : i32
      scf.if %cond3A_27 {
        %sub3A = arith.constant 2 : i32
        %sub3A_98 = arith.subi %add3A_20, %sub3A : i32
      } else {
      }
      %add3A_28 = arith.constant 2 : i32
      %add3A_29 = arith.addi %add3A_20, %add3A_28 : i32
      %lt3A_30 = arith.constant 80 : i32
      %lt3A_31 = arith.cmpi slt, %add3A_29, %lt3A_30 : i32
      %convert_element_type3A_32 = arith.extui %lt3A_31 : i1 to i32
      %cond3A_33 = arith.constant 0 : i32
      %cond3A_34 = arith.cmpi ne, %convert_element_type3A_32, %cond3A_33 : i32
      scf.if %cond3A_34 {
        %add3A_98 = arith.constant 2 : i32
        %add3A_99 = arith.addi %add3A_20, %add3A_98 : i32
      } else {
      }
      %mul3A_35 = arith.constant 4 : i32
      %mul3A_36 = arith.muli %scan3A_16, %mul3A_35 : i32
      %add3A_37 = arith.constant 1 : i32
      %add3A_38 = arith.addi %mul3A_36, %add3A_37 : i32
      %ge3A_39 = arith.constant 2 : i32
      %ge3A_40 = arith.cmpi sge, %add3A_38, %ge3A_39 : i32
      %add3A_41 = arith.constant 2 : i32
      %add3A_42 = arith.addi %add3A_38, %add3A_41 : i32
      %lt3A_43 = arith.constant 80 : i32
      %lt3A_44 = arith.cmpi slt, %add3A_42, %lt3A_43 : i32
      %and3A_45 = arith.andi %ge3A_40, %lt3A_44 : i1
      %convert_element_type3A_46 = arith.extui %and3A_45 : i1 to i32
      %cond3A_47 = arith.constant 0 : i32
      %cond3A_48 = arith.cmpi ne, %convert_element_type3A_46, %cond3A_47 : i32
      scf.if %cond3A_48 {
        %sub3A = arith.constant 2 : i32
        %sub3A_98 = arith.subi %add3A_38, %sub3A : i32
      } else {
      }
      %add3A_49 = arith.constant 2 : i32
      %add3A_50 = arith.addi %add3A_38, %add3A_49 : i32
      %lt3A_51 = arith.constant 80 : i32
      %lt3A_52 = arith.cmpi slt, %add3A_50, %lt3A_51 : i32
      %convert_element_type3A_53 = arith.extui %lt3A_52 : i1 to i32
      %cond3A_54 = arith.constant 0 : i32
      %cond3A_55 = arith.cmpi ne, %convert_element_type3A_53, %cond3A_54 : i32
      scf.if %cond3A_55 {
        %add3A_98 = arith.constant 2 : i32
        %add3A_99 = arith.addi %add3A_38, %add3A_98 : i32
      } else {
      }
      %mul3A_56 = arith.constant 4 : i32
      %mul3A_57 = arith.muli %scan3A_16, %mul3A_56 : i32
      %add3A_58 = arith.constant 2 : i32
      %add3A_59 = arith.addi %mul3A_57, %add3A_58 : i32
      %ge3A_60 = arith.constant 2 : i32
      %ge3A_61 = arith.cmpi sge, %add3A_59, %ge3A_60 : i32
      %add3A_62 = arith.constant 2 : i32
      %add3A_63 = arith.addi %add3A_59, %add3A_62 : i32
      %lt3A_64 = arith.constant 80 : i32
      %lt3A_65 = arith.cmpi slt, %add3A_63, %lt3A_64 : i32
      %and3A_66 = arith.andi %ge3A_61, %lt3A_65 : i1
      %convert_element_type3A_67 = arith.extui %and3A_66 : i1 to i32
      %cond3A_68 = arith.constant 0 : i32
      %cond3A_69 = arith.cmpi ne, %convert_element_type3A_67, %cond3A_68 : i32
      scf.if %cond3A_69 {
        %sub3A = arith.constant 2 : i32
        %sub3A_98 = arith.subi %add3A_59, %sub3A : i32
      } else {
      }
      %add3A_70 = arith.constant 2 : i32
      %add3A_71 = arith.addi %add3A_59, %add3A_70 : i32
      %lt3A_72 = arith.constant 80 : i32
      %lt3A_73 = arith.cmpi slt, %add3A_71, %lt3A_72 : i32
      %convert_element_type3A_74 = arith.extui %lt3A_73 : i1 to i32
      %cond3A_75 = arith.constant 0 : i32
      %cond3A_76 = arith.cmpi ne, %convert_element_type3A_74, %cond3A_75 : i32
      scf.if %cond3A_76 {
        %add3A_98 = arith.constant 2 : i32
        %add3A_99 = arith.addi %add3A_59, %add3A_98 : i32
      } else {
      }
      %mul3A_77 = arith.constant 4 : i32
      %mul3A_78 = arith.muli %scan3A_16, %mul3A_77 : i32
      %add3A_79 = arith.constant 3 : i32
      %add3A_80 = arith.addi %mul3A_78, %add3A_79 : i32
      %ge3A_81 = arith.constant 2 : i32
      %ge3A_82 = arith.cmpi sge, %add3A_80, %ge3A_81 : i32
      %add3A_83 = arith.constant 2 : i32
      %add3A_84 = arith.addi %add3A_80, %add3A_83 : i32
      %lt3A_85 = arith.constant 80 : i32
      %lt3A_86 = arith.cmpi slt, %add3A_84, %lt3A_85 : i32
      %and3A_87 = arith.andi %ge3A_82, %lt3A_86 : i1
      %convert_element_type3A_88 = arith.extui %and3A_87 : i1 to i32
      %cond3A_89 = arith.constant 0 : i32
      %cond3A_90 = arith.cmpi ne, %convert_element_type3A_88, %cond3A_89 : i32
      scf.if %cond3A_90 {
        %sub3A = arith.constant 2 : i32
        %sub3A_98 = arith.subi %add3A_80, %sub3A : i32
      } else {
      }
      %add3A_91 = arith.constant 2 : i32
      %add3A_92 = arith.addi %add3A_80, %add3A_91 : i32
      %lt3A_93 = arith.constant 80 : i32
      %lt3A_94 = arith.cmpi slt, %add3A_92, %lt3A_93 : i32
      %convert_element_type3A_95 = arith.extui %lt3A_94 : i1 to i32
      %cond3A_96 = arith.constant 0 : i32
      %cond3A_97 = arith.cmpi ne, %convert_element_type3A_95, %cond3A_96 : i32
      scf.if %cond3A_97 {
        %add3A_98 = arith.constant 2 : i32
        %add3A_99 = arith.addi %add3A_80, %add3A_98 : i32
      } else {
      }
    }
    %scan3A_9 = arith.constant 20 : i32
    %barrier3A_10 = arith.constant 0 : index
    tpu.barrier barrier_id(%barrier3A_10)
    "tpu.region"() ({
      %run_scoped3A = tpu.sem_alloc : memref<!tpu.dma_semaphore, #tpu.memory_space<semaphore_mem>>
      %dma_start3A = arith.constant 0 : i32
      %dma_start3A_16 = arith.constant 0 : i32
      %dma_start3A_17 = tpu.memref_slice %arg6[%arg0, %dma_start3A, %dma_start3A_16] : memref<2x10000x64xf32, #tpu.memory_space<hbm>> -> memref<1x10000x64xf32, #tpu.memory_space<hbm>>
      %dma_start3A_18 = tpu.memref_squeeze %dma_start3A_17 : memref<1x10000x64xf32, #tpu.memory_space<hbm>> -> memref<10000x64xf32, #tpu.memory_space<hbm>>
      %dma_start3A_19 = arith.constant 0 : i32
      %dma_start3A_20 = tpu.memref_slice %dma_start3A_18[%multiple_of3A, %dma_start3A_19] : memref<10000x64xf32, #tpu.memory_space<hbm>> -> memref<624x64xf32, #tpu.memory_space<hbm>>
      %dma_start3A_21 = arith.constant 0 : i32
      %dma_start3A_22 = tpu.memref_slice %arg7[%multiple_of3A, %dma_start3A_21] : memref<10000x64xf32, #tpu.memory_space<vmem_shared>> -> memref<624x64xf32, #tpu.memory_space<vmem_shared>>
      tpu.enqueue_dma source(%dma_start3A_22 : memref<624x64xf32, #tpu.memory_space<vmem_shared>>) target(%dma_start3A_20 : memref<624x64xf32, #tpu.memory_space<hbm>>) target_semaphore(%run_scoped3A : memref<!tpu.dma_semaphore, #tpu.memory_space<semaphore_mem>>)
      %dma_wait3A = arith.constant 0 : i32
      %dma_wait3A_23 = arith.constant 0 : i32
      %dma_wait3A_24 = tpu.memref_slice %arg6[%arg0, %dma_wait3A, %dma_wait3A_23] : memref<2x10000x64xf32, #tpu.memory_space<hbm>> -> memref<1x10000x64xf32, #tpu.memory_space<hbm>>
      %dma_wait3A_25 = tpu.memref_squeeze %dma_wait3A_24 : memref<1x10000x64xf32, #tpu.memory_space<hbm>> -> memref<10000x64xf32, #tpu.memory_space<hbm>>
      %dma_wait3A_26 = arith.constant 0 : i32
      %dma_wait3A_27 = tpu.memref_slice %dma_wait3A_25[%multiple_of3A, %dma_wait3A_26] : memref<10000x64xf32, #tpu.memory_space<hbm>> -> memref<624x64xf32, #tpu.memory_space<hbm>>
      %dma_wait3A_28 = arith.constant 0 : i32
      %dma_wait3A_29 = tpu.memref_slice %arg7[%multiple_of3A, %dma_wait3A_28] : memref<10000x64xf32, #tpu.memory_space<vmem_shared>> -> memref<624x64xf32, #tpu.memory_space<vmem_shared>>
      tpu.wait_dma2 semaphore(%run_scoped3A : memref<!tpu.dma_semaphore, #tpu.memory_space<semaphore_mem>>) src(%dma_wait3A_29 : memref<624x64xf32, #tpu.memory_space<vmem_shared>>) dst(%dma_wait3A_27 : memref<624x64xf32, #tpu.memory_space<hbm>>)
      tpu.yield
    }) : () -> ()
    %eq3A_11 = arith.constant 0 : i32
    %eq3A_12 = arith.cmpi eq, %arg1, %eq3A_11 : i32
    %convert_element_type3A_13 = arith.extui %eq3A_12 : i1 to i32
    %cond3A_14 = arith.constant 0 : i32
    %cond3A_15 = arith.cmpi ne, %convert_element_type3A_13, %cond3A_14 : i32
    scf.if %cond3A_15 {
      "tpu.region"() ({
        %run_scoped3A = tpu.sem_alloc : memref<!tpu.dma_semaphore, #tpu.memory_space<semaphore_mem>>
        %dma_start3A = arith.constant 0 : i32
        %dma_start3A_16 = arith.constant 0 : i32
        %dma_start3A_17 = tpu.memref_slice %arg6[%arg0, %dma_start3A, %dma_start3A_16] : memref<2x10000x64xf32, #tpu.memory_space<hbm>> -> memref<1x10000x64xf32, #tpu.memory_space<hbm>>
        %dma_start3A_18 = tpu.memref_squeeze %dma_start3A_17 : memref<1x10000x64xf32, #tpu.memory_space<hbm>> -> memref<10000x64xf32, #tpu.memory_space<hbm>>
        %dma_start3A_19 = arith.constant 9984 : i32
        %dma_start3A_20 = arith.constant 0 : i32
        %dma_start3A_21 = tpu.memref_slice %dma_start3A_18[%dma_start3A_19, %dma_start3A_20] : memref<10000x64xf32, #tpu.memory_space<hbm>> -> memref<16x64xf32, #tpu.memory_space<hbm>>
        %dma_start3A_22 = arith.constant 9984 : i32
        %dma_start3A_23 = arith.constant 0 : i32
        %dma_start3A_24 = tpu.memref_slice %arg7[%dma_start3A_22, %dma_start3A_23] : memref<10000x64xf32, #tpu.memory_space<vmem_shared>> -> memref<16x64xf32, #tpu.memory_space<vmem_shared>>
        tpu.enqueue_dma source(%dma_start3A_24 : memref<16x64xf32, #tpu.memory_space<vmem_shared>>) target(%dma_start3A_21 : memref<16x64xf32, #tpu.memory_space<hbm>>) target_semaphore(%run_scoped3A : memref<!tpu.dma_semaphore, #tpu.memory_space<semaphore_mem>>)
        %dma_wait3A = arith.constant 0 : i32
        %dma_wait3A_25 = arith.constant 0 : i32
        %dma_wait3A_26 = tpu.memref_slice %arg6[%arg0, %dma_wait3A, %dma_wait3A_25] : memref<2x10000x64xf32, #tpu.memory_space<hbm>> -> memref<1x10000x64xf32, #tpu.memory_space<hbm>>
        %dma_wait3A_27 = tpu.memref_squeeze %dma_wait3A_26 : memref<1x10000x64xf32, #tpu.memory_space<hbm>> -> memref<10000x64xf32, #tpu.memory_space<hbm>>
        %dma_wait3A_28 = arith.constant 9984 : i32
        %dma_wait3A_29 = arith.constant 0 : i32
        %dma_wait3A_30 = tpu.memref_slice %dma_wait3A_27[%dma_wait3A_28, %dma_wait3A_29] : memref<10000x64xf32, #tpu.memory_space<hbm>> -> memref<16x64xf32, #tpu.memory_space<hbm>>
        %dma_wait3A_31 = arith.constant 9984 : i32
        %dma_wait3A_32 = arith.constant 0 : i32
        %dma_wait3A_33 = tpu.memref_slice %arg7[%dma_wait3A_31, %dma_wait3A_32] : memref<10000x64xf32, #tpu.memory_space<vmem_shared>> -> memref<16x64xf32, #tpu.memory_space<vmem_shared>>
        tpu.wait_dma2 semaphore(%run_scoped3A : memref<!tpu.dma_semaphore, #tpu.memory_space<semaphore_mem>>) src(%dma_wait3A_33 : memref<16x64xf32, #tpu.memory_space<vmem_shared>>) dst(%dma_wait3A_30 : memref<16x64xf32, #tpu.memory_space<hbm>>)
        tpu.yield
      }) : () -> ()
    } else {
    }
    return
  }
}

#map = affine_map<(d0, d1) -> (0, 0)>
#map1 = affine_map<(d0, d1) -> (0, 0, 0)>
module attributes {stable_mosaic.version = 14 : i64} {
  func.func @_spmm_sc(%arg0: i32, %arg1: i32, %arg2: memref<10000x64xf32, #tpu.memory_space<hbm>>, %arg3: memref<32x80x125xi32, #tpu.memory_space<hbm>>, %arg4: memref<32x80x125xi32, #tpu.memory_space<hbm>>, %arg5: memref<624x64xf32, #tpu.memory_space<hbm>>, %arg6: memref<2x10000x64xf32, #tpu.memory_space<hbm>>, %arg7: memref<10000x64xf32, #tpu.memory_space<vmem_shared>>, %arg8: memref<80x125xi32, #tpu.memory_space<vmem>>, %arg9: memref<80x125xi32, #tpu.memory_space<vmem>>, %arg10: memref<125x64xf32, #tpu.memory_space<vmem>>, %arg11: memref<125x64xf32, #tpu.memory_space<vmem>>, %arg12: memref<125x64xf32, #tpu.memory_space<vmem>>, %arg13: memref<125x64xf32, #tpu.memory_space<vmem>>, %arg14: memref<!tpu.dma_semaphore, #tpu.memory_space<semaphore_mem>>, %arg15: memref<!tpu.dma_semaphore, #tpu.memory_space<semaphore_mem>>, %arg16: memref<!tpu.dma_semaphore, #tpu.memory_space<semaphore_mem>>, %arg17: memref<!tpu.dma_semaphore, #tpu.memory_space<semaphore_mem>>, %arg18: memref<!tpu.dma_semaphore, #tpu.memory_space<semaphore_mem>>, %arg19: memref<!tpu.dma_semaphore, #tpu.memory_space<semaphore_mem>>, %arg20: memref<!tpu.dma_semaphore, #tpu.memory_space<semaphore_mem>>, %arg21: memref<!tpu.dma_semaphore, #tpu.memory_space<semaphore_mem>>) attributes {dimension_semantics = [#tpu.dimension_semantics<core_parallel>, #tpu.dimension_semantics<subcore_parallel>], iteration_bounds = array<i64: 2, 16>, scalar_prefetch = 0 : i64, scratch_operands = 15 : i64, tpu.core_type = #tpu.core_type<sc_vector_subcore>, window_params = [{transform_indices = #map}, {transform_indices = #map1}, {transform_indices = #map1}, {transform_indices = #map}, {transform_indices = #map1}]} {
    %mul3A = arith.constant 16 : i32
    %mul3A_0 = arith.muli %arg0, %mul3A : i32
    %add3A = arith.addi %mul3A_0, %arg1 : i32
    %mul3A_1 = arith.constant 624 : i32
    %mul3A_2 = arith.muli %arg1, %mul3A_1 : i32
    %multiple_of3A = tpu.assume_multiple %mul3A_2, 8 : i32
    "tpu.region"() ({
      %run_scoped3A = tpu.sem_alloc : memref<!tpu.dma_semaphore, #tpu.memory_space<semaphore_mem>>
      %dma_start3A = arith.constant 0 : i32
      %dma_start3A_16 = tpu.memref_slice %arg7[%multiple_of3A, %dma_start3A] : memref<10000x64xf32, #tpu.memory_space<vmem_shared>> -> memref<624x64xf32, #tpu.memory_space<vmem_shared>>
      %dma_start3A_17 = arith.constant 0 : i32
      %dma_start3A_18 = arith.constant 0 : i32
      %dma_start3A_19 = tpu.memref_slice %arg5[%dma_start3A_17, %dma_start3A_18] : memref<624x64xf32, #tpu.memory_space<hbm>> -> memref<624x64xf32, #tpu.memory_space<hbm>>
      tpu.enqueue_dma source(%dma_start3A_19 : memref<624x64xf32, #tpu.memory_space<hbm>>) target(%dma_start3A_16 : memref<624x64xf32, #tpu.memory_space<vmem_shared>>) target_semaphore(%run_scoped3A : memref<!tpu.dma_semaphore, #tpu.memory_space<semaphore_mem>>)
      %dma_wait3A = arith.constant 0 : i32
      %dma_wait3A_20 = tpu.memref_slice %arg7[%multiple_of3A, %dma_wait3A] : memref<10000x64xf32, #tpu.memory_space<vmem_shared>> -> memref<624x64xf32, #tpu.memory_space<vmem_shared>>
      %dma_wait3A_21 = arith.constant 0 : i32
      %dma_wait3A_22 = arith.constant 0 : i32
      %dma_wait3A_23 = tpu.memref_slice %arg5[%dma_wait3A_21, %dma_wait3A_22] : memref<624x64xf32, #tpu.memory_space<hbm>> -> memref<624x64xf32, #tpu.memory_space<hbm>>
      tpu.wait_dma2 semaphore(%run_scoped3A : memref<!tpu.dma_semaphore, #tpu.memory_space<semaphore_mem>>) src(%dma_wait3A_23 : memref<624x64xf32, #tpu.memory_space<hbm>>) dst(%dma_wait3A_20 : memref<624x64xf32, #tpu.memory_space<vmem_shared>>)
      tpu.yield
    }) : () -> ()
    %eq3A = arith.constant 0 : i32
    %eq3A_3 = arith.cmpi eq, %arg1, %eq3A : i32
    %convert_element_type3A = arith.extui %eq3A_3 : i1 to i32
    %cond3A = arith.constant 0 : i32
    %cond3A_4 = arith.cmpi ne, %convert_element_type3A, %cond3A : i32
    scf.if %cond3A_4 {
      "tpu.region"() ({
        %run_scoped3A = tpu.sem_alloc : memref<!tpu.dma_semaphore, #tpu.memory_space<semaphore_mem>>
        %dma_start3A = arith.constant 9984 : i32
        %dma_start3A_16 = arith.constant 0 : i32
        %dma_start3A_17 = tpu.memref_slice %arg7[%dma_start3A, %dma_start3A_16] : memref<10000x64xf32, #tpu.memory_space<vmem_shared>> -> memref<16x64xf32, #tpu.memory_space<vmem_shared>>
        %dma_start3A_18 = arith.constant 0 : i32
        %dma_start3A_19 = arith.constant 0 : i32
        %dma_start3A_20 = tpu.memref_slice %arg5[%dma_start3A_18, %dma_start3A_19] : memref<624x64xf32, #tpu.memory_space<hbm>> -> memref<16x64xf32, #tpu.memory_space<hbm>>
        tpu.enqueue_dma source(%dma_start3A_20 : memref<16x64xf32, #tpu.memory_space<hbm>>) target(%dma_start3A_17 : memref<16x64xf32, #tpu.memory_space<vmem_shared>>) target_semaphore(%run_scoped3A : memref<!tpu.dma_semaphore, #tpu.memory_space<semaphore_mem>>)
        %dma_wait3A = arith.constant 9984 : i32
        %dma_wait3A_21 = arith.constant 0 : i32
        %dma_wait3A_22 = tpu.memref_slice %arg7[%dma_wait3A, %dma_wait3A_21] : memref<10000x64xf32, #tpu.memory_space<vmem_shared>> -> memref<16x64xf32, #tpu.memory_space<vmem_shared>>
        %dma_wait3A_23 = arith.constant 0 : i32
        %dma_wait3A_24 = arith.constant 0 : i32
        %dma_wait3A_25 = tpu.memref_slice %arg5[%dma_wait3A_23, %dma_wait3A_24] : memref<624x64xf32, #tpu.memory_space<hbm>> -> memref<16x64xf32, #tpu.memory_space<hbm>>
        tpu.wait_dma2 semaphore(%run_scoped3A : memref<!tpu.dma_semaphore, #tpu.memory_space<semaphore_mem>>) src(%dma_wait3A_25 : memref<16x64xf32, #tpu.memory_space<hbm>>) dst(%dma_wait3A_22 : memref<16x64xf32, #tpu.memory_space<vmem_shared>>)
        tpu.yield
      }) : () -> ()
    } else {
    }
    "tpu.region"() ({
      %run_scoped3A = tpu.sem_alloc : memref<!tpu.dma_semaphore, #tpu.memory_space<semaphore_mem>>
      %dma_start3A = arith.constant 0 : i32
      %dma_start3A_16 = arith.constant 0 : i32
      %dma_start3A_17 = tpu.memref_slice %arg3[%add3A, %dma_start3A, %dma_start3A_16] : memref<32x80x125xi32, #tpu.memory_space<hbm>> -> memref<1x80x125xi32, #tpu.memory_space<hbm>>
      %dma_start3A_18 = tpu.memref_squeeze %dma_start3A_17 : memref<1x80x125xi32, #tpu.memory_space<hbm>> -> memref<80x125xi32, #tpu.memory_space<hbm>>
      %dma_start3A_19 = arith.constant 0 : i32
      %dma_start3A_20 = arith.constant 0 : i32
      %dma_start3A_21 = tpu.memref_slice %arg3[%add3A, %dma_start3A_19, %dma_start3A_20] : memref<32x80x125xi32, #tpu.memory_space<hbm>> -> memref<1x80x125xi32, #tpu.memory_space<hbm>>
      %dma_start3A_22 = tpu.memref_squeeze %dma_start3A_21 : memref<1x80x125xi32, #tpu.memory_space<hbm>> -> memref<80x125xi32, #tpu.memory_space<hbm>>
      tpu.enqueue_dma source(%dma_start3A_22 : memref<80x125xi32, #tpu.memory_space<hbm>>) target(%arg8 : memref<80x125xi32, #tpu.memory_space<vmem>>) target_semaphore(%run_scoped3A : memref<!tpu.dma_semaphore, #tpu.memory_space<semaphore_mem>>)
      %dma_wait3A = arith.constant 0 : i32
      %dma_wait3A_23 = arith.constant 0 : i32
      %dma_wait3A_24 = tpu.memref_slice %arg3[%add3A, %dma_wait3A, %dma_wait3A_23] : memref<32x80x125xi32, #tpu.memory_space<hbm>> -> memref<1x80x125xi32, #tpu.memory_space<hbm>>
      %dma_wait3A_25 = tpu.memref_squeeze %dma_wait3A_24 : memref<1x80x125xi32, #tpu.memory_space<hbm>> -> memref<80x125xi32, #tpu.memory_space<hbm>>
      %dma_wait3A_26 = arith.constant 0 : i32
      %dma_wait3A_27 = arith.constant 0 : i32
      %dma_wait3A_28 = tpu.memref_slice %arg3[%add3A, %dma_wait3A_26, %dma_wait3A_27] : memref<32x80x125xi32, #tpu.memory_space<hbm>> -> memref<1x80x125xi32, #tpu.memory_space<hbm>>
      %dma_wait3A_29 = tpu.memref_squeeze %dma_wait3A_28 : memref<1x80x125xi32, #tpu.memory_space<hbm>> -> memref<80x125xi32, #tpu.memory_space<hbm>>
      tpu.wait_dma2 semaphore(%run_scoped3A : memref<!tpu.dma_semaphore, #tpu.memory_space<semaphore_mem>>) src(%dma_wait3A_29 : memref<80x125xi32, #tpu.memory_space<hbm>>) dst(%arg8 : memref<80x125xi32, #tpu.memory_space<vmem>>)
      tpu.yield
    }) : () -> ()
    "tpu.region"() ({
      %run_scoped3A = tpu.sem_alloc : memref<!tpu.dma_semaphore, #tpu.memory_space<semaphore_mem>>
      %dma_start3A = arith.constant 0 : i32
      %dma_start3A_16 = arith.constant 0 : i32
      %dma_start3A_17 = tpu.memref_slice %arg4[%add3A, %dma_start3A, %dma_start3A_16] : memref<32x80x125xi32, #tpu.memory_space<hbm>> -> memref<1x80x125xi32, #tpu.memory_space<hbm>>
      %dma_start3A_18 = tpu.memref_squeeze %dma_start3A_17 : memref<1x80x125xi32, #tpu.memory_space<hbm>> -> memref<80x125xi32, #tpu.memory_space<hbm>>
      %dma_start3A_19 = arith.constant 0 : i32
      %dma_start3A_20 = arith.constant 0 : i32
      %dma_start3A_21 = tpu.memref_slice %arg4[%add3A, %dma_start3A_19, %dma_start3A_20] : memref<32x80x125xi32, #tpu.memory_space<hbm>> -> memref<1x80x125xi32, #tpu.memory_space<hbm>>
      %dma_start3A_22 = tpu.memref_squeeze %dma_start3A_21 : memref<1x80x125xi32, #tpu.memory_space<hbm>> -> memref<80x125xi32, #tpu.memory_space<hbm>>
      tpu.enqueue_dma source(%dma_start3A_22 : memref<80x125xi32, #tpu.memory_space<hbm>>) target(%arg9 : memref<80x125xi32, #tpu.memory_space<vmem>>) target_semaphore(%run_scoped3A : memref<!tpu.dma_semaphore, #tpu.memory_space<semaphore_mem>>)
      %dma_wait3A = arith.constant 0 : i32
      %dma_wait3A_23 = arith.constant 0 : i32
      %dma_wait3A_24 = tpu.memref_slice %arg4[%add3A, %dma_wait3A, %dma_wait3A_23] : memref<32x80x125xi32, #tpu.memory_space<hbm>> -> memref<1x80x125xi32, #tpu.memory_space<hbm>>
      %dma_wait3A_25 = tpu.memref_squeeze %dma_wait3A_24 : memref<1x80x125xi32, #tpu.memory_space<hbm>> -> memref<80x125xi32, #tpu.memory_space<hbm>>
      %dma_wait3A_26 = arith.constant 0 : i32
      %dma_wait3A_27 = arith.constant 0 : i32
      %dma_wait3A_28 = tpu.memref_slice %arg4[%add3A, %dma_wait3A_26, %dma_wait3A_27] : memref<32x80x125xi32, #tpu.memory_space<hbm>> -> memref<1x80x125xi32, #tpu.memory_space<hbm>>
      %dma_wait3A_29 = tpu.memref_squeeze %dma_wait3A_28 : memref<1x80x125xi32, #tpu.memory_space<hbm>> -> memref<80x125xi32, #tpu.memory_space<hbm>>
      tpu.wait_dma2 semaphore(%run_scoped3A : memref<!tpu.dma_semaphore, #tpu.memory_space<semaphore_mem>>) src(%dma_wait3A_29 : memref<80x125xi32, #tpu.memory_space<hbm>>) dst(%arg9 : memref<80x125xi32, #tpu.memory_space<vmem>>)
      tpu.yield
    }) : () -> ()
    %barrier3A = arith.constant 0 : index
    tpu.barrier barrier_id(%barrier3A)
    %scan3A = arith.constant 0 : i32
    %scan3A_5 = arith.constant 0 : i32
    %scan3A_6 = arith.constant 20 : i32
    %scan3A_7 = arith.addi %scan3A_5, %scan3A_6 : i32
    %scan3A_8 = arith.constant 1 : i32
    scf.for %scan3A_16 = %scan3A_5 to %scan3A_7 step %scan3A_8  : i32 {
      %mul3A_17 = arith.constant 4 : i32
      %mul3A_18 = arith.muli %scan3A_16, %mul3A_17 : i32
      %add3A_19 = arith.constant 0 : i32
      %add3A_20 = arith.addi %mul3A_18, %add3A_19 : i32
      %ge3A = arith.constant 2 : i32
      %ge3A_21 = arith.cmpi sge, %add3A_20, %ge3A : i32
      %add3A_22 = arith.constant 2 : i32
      %add3A_23 = arith.addi %add3A_20, %add3A_22 : i32
      %lt3A = arith.constant 80 : i32
      %lt3A_24 = arith.cmpi slt, %add3A_23, %lt3A : i32
      %and3A = arith.andi %ge3A_21, %lt3A_24 : i1
      %convert_element_type3A_25 = arith.extui %and3A : i1 to i32
      %cond3A_26 = arith.constant 0 : i32
      %cond3A_27 = arith.cmpi ne, %convert_element_type3A_25, %cond3A_26 : i32
      scf.if %cond3A_27 {
        %sub3A = arith.constant 2 : i32
        %sub3A_98 = arith.subi %add3A_20, %sub3A : i32
      } else {
      }
      %add3A_28 = arith.constant 2 : i32
      %add3A_29 = arith.addi %add3A_20, %add3A_28 : i32
      %lt3A_30 = arith.constant 80 : i32
      %lt3A_31 = arith.cmpi slt, %add3A_29, %lt3A_30 : i32
      %convert_element_type3A_32 = arith.extui %lt3A_31 : i1 to i32
      %cond3A_33 = arith.constant 0 : i32
      %cond3A_34 = arith.cmpi ne, %convert_element_type3A_32, %cond3A_33 : i32
      scf.if %cond3A_34 {
        %add3A_98 = arith.constant 2 : i32
        %add3A_99 = arith.addi %add3A_20, %add3A_98 : i32
      } else {
      }
      %mul3A_35 = arith.constant 4 : i32
      %mul3A_36 = arith.muli %scan3A_16, %mul3A_35 : i32
      %add3A_37 = arith.constant 1 : i32
      %add3A_38 = arith.addi %mul3A_36, %add3A_37 : i32
      %ge3A_39 = arith.constant 2 : i32
      %ge3A_40 = arith.cmpi sge, %add3A_38, %ge3A_39 : i32
      %add3A_41 = arith.constant 2 : i32
      %add3A_42 = arith.addi %add3A_38, %add3A_41 : i32
      %lt3A_43 = arith.constant 80 : i32
      %lt3A_44 = arith.cmpi slt, %add3A_42, %lt3A_43 : i32
      %and3A_45 = arith.andi %ge3A_40, %lt3A_44 : i1
      %convert_element_type3A_46 = arith.extui %and3A_45 : i1 to i32
      %cond3A_47 = arith.constant 0 : i32
      %cond3A_48 = arith.cmpi ne, %convert_element_type3A_46, %cond3A_47 : i32
      scf.if %cond3A_48 {
        %sub3A = arith.constant 2 : i32
        %sub3A_98 = arith.subi %add3A_38, %sub3A : i32
      } else {
      }
      %add3A_49 = arith.constant 2 : i32
      %add3A_50 = arith.addi %add3A_38, %add3A_49 : i32
      %lt3A_51 = arith.constant 80 : i32
      %lt3A_52 = arith.cmpi slt, %add3A_50, %lt3A_51 : i32
      %convert_element_type3A_53 = arith.extui %lt3A_52 : i1 to i32
      %cond3A_54 = arith.constant 0 : i32
      %cond3A_55 = arith.cmpi ne, %convert_element_type3A_53, %cond3A_54 : i32
      scf.if %cond3A_55 {
        %add3A_98 = arith.constant 2 : i32
        %add3A_99 = arith.addi %add3A_38, %add3A_98 : i32
      } else {
      }
      %mul3A_56 = arith.constant 4 : i32
      %mul3A_57 = arith.muli %scan3A_16, %mul3A_56 : i32
      %add3A_58 = arith.constant 2 : i32
      %add3A_59 = arith.addi %mul3A_57, %add3A_58 : i32
      %ge3A_60 = arith.constant 2 : i32
      %ge3A_61 = arith.cmpi sge, %add3A_59, %ge3A_60 : i32
      %add3A_62 = arith.constant 2 : i32
      %add3A_63 = arith.addi %add3A_59, %add3A_62 : i32
      %lt3A_64 = arith.constant 80 : i32
      %lt3A_65 = arith.cmpi slt, %add3A_63, %lt3A_64 : i32
      %and3A_66 = arith.andi %ge3A_61, %lt3A_65 : i1
      %convert_element_type3A_67 = arith.extui %and3A_66 : i1 to i32
      %cond3A_68 = arith.constant 0 : i32
      %cond3A_69 = arith.cmpi ne, %convert_element_type3A_67, %cond3A_68 : i32
      scf.if %cond3A_69 {
        %sub3A = arith.constant 2 : i32
        %sub3A_98 = arith.subi %add3A_59, %sub3A : i32
      } else {
      }
      %add3A_70 = arith.constant 2 : i32
      %add3A_71 = arith.addi %add3A_59, %add3A_70 : i32
      %lt3A_72 = arith.constant 80 : i32
      %lt3A_73 = arith.cmpi slt, %add3A_71, %lt3A_72 : i32
      %convert_element_type3A_74 = arith.extui %lt3A_73 : i1 to i32
      %cond3A_75 = arith.constant 0 : i32
      %cond3A_76 = arith.cmpi ne, %convert_element_type3A_74, %cond3A_75 : i32
      scf.if %cond3A_76 {
        %add3A_98 = arith.constant 2 : i32
        %add3A_99 = arith.addi %add3A_59, %add3A_98 : i32
      } else {
      }
      %mul3A_77 = arith.constant 4 : i32
      %mul3A_78 = arith.muli %scan3A_16, %mul3A_77 : i32
      %add3A_79 = arith.constant 3 : i32
      %add3A_80 = arith.addi %mul3A_78, %add3A_79 : i32
      %ge3A_81 = arith.constant 2 : i32
      %ge3A_82 = arith.cmpi sge, %add3A_80, %ge3A_81 : i32
      %add3A_83 = arith.constant 2 : i32
      %add3A_84 = arith.addi %add3A_80, %add3A_83 : i32
      %lt3A_85 = arith.constant 80 : i32
      %lt3A_86 = arith.cmpi slt, %add3A_84, %lt3A_85 : i32
      %and3A_87 = arith.andi %ge3A_82, %lt3A_86 : i1
      %convert_element_type3A_88 = arith.extui %and3A_87 : i1 to i32
      %cond3A_89 = arith.constant 0 : i32
      %cond3A_90 = arith.cmpi ne, %convert_element_type3A_88, %cond3A_89 : i32
      scf.if %cond3A_90 {
        %sub3A = arith.constant 2 : i32
        %sub3A_98 = arith.subi %add3A_80, %sub3A : i32
      } else {
      }
      %add3A_91 = arith.constant 2 : i32
      %add3A_92 = arith.addi %add3A_80, %add3A_91 : i32
      %lt3A_93 = arith.constant 80 : i32
      %lt3A_94 = arith.cmpi slt, %add3A_92, %lt3A_93 : i32
      %convert_element_type3A_95 = arith.extui %lt3A_94 : i1 to i32
      %cond3A_96 = arith.constant 0 : i32
      %cond3A_97 = arith.cmpi ne, %convert_element_type3A_95, %cond3A_96 : i32
      scf.if %cond3A_97 {
        %add3A_98 = arith.constant 2 : i32
        %add3A_99 = arith.addi %add3A_80, %add3A_98 : i32
      } else {
      }
    }
    %scan3A_9 = arith.constant 20 : i32
    %barrier3A_10 = arith.constant 0 : index
    tpu.barrier barrier_id(%barrier3A_10)
    "tpu.region"() ({
      %run_scoped3A = tpu.sem_alloc : memref<!tpu.dma_semaphore, #tpu.memory_space<semaphore_mem>>
      %dma_start3A = arith.constant 0 : i32
      %dma_start3A_16 = arith.constant 0 : i32
      %dma_start3A_17 = tpu.memref_slice %arg6[%arg0, %dma_start3A, %dma_start3A_16] : memref<2x10000x64xf32, #tpu.memory_space<hbm>> -> memref<1x10000x64xf32, #tpu.memory_space<hbm>>
      %dma_start3A_18 = tpu.memref_squeeze %dma_start3A_17 : memref<1x10000x64xf32, #tpu.memory_space<hbm>> -> memref<10000x64xf32, #tpu.memory_space<hbm>>
      %dma_start3A_19 = arith.constant 0 : i32
      %dma_start3A_20 = tpu.memref_slice %dma_start3A_18[%multiple_of3A, %dma_start3A_19] : memref<10000x64xf32, #tpu.memory_space<hbm>> -> memref<624x64xf32, #tpu.memory_space<hbm>>
      %dma_start3A_21 = arith.constant 0 : i32
      %dma_start3A_22 = tpu.memref_slice %arg7[%multiple_of3A, %dma_start3A_21] : memref<10000x64xf32, #tpu.memory_space<vmem_shared>> -> memref<624x64xf32, #tpu.memory_space<vmem_shared>>
      tpu.enqueue_dma source(%dma_start3A_22 : memref<624x64xf32, #tpu.memory_space<vmem_shared>>) target(%dma_start3A_20 : memref<624x64xf32, #tpu.memory_space<hbm>>) target_semaphore(%run_scoped3A : memref<!tpu.dma_semaphore, #tpu.memory_space<semaphore_mem>>)
      %dma_wait3A = arith.constant 0 : i32
      %dma_wait3A_23 = arith.constant 0 : i32
      %dma_wait3A_24 = tpu.memref_slice %arg6[%arg0, %dma_wait3A, %dma_wait3A_23] : memref<2x10000x64xf32, #tpu.memory_space<hbm>> -> memref<1x10000x64xf32, #tpu.memory_space<hbm>>
      %dma_wait3A_25 = tpu.memref_squeeze %dma_wait3A_24 : memref<1x10000x64xf32, #tpu.memory_space<hbm>> -> memref<10000x64xf32, #tpu.memory_space<hbm>>
      %dma_wait3A_26 = arith.constant 0 : i32
      %dma_wait3A_27 = tpu.memref_slice %dma_wait3A_25[%multiple_of3A, %dma_wait3A_26] : memref<10000x64xf32, #tpu.memory_space<hbm>> -> memref<624x64xf32, #tpu.memory_space<hbm>>
      %dma_wait3A_28 = arith.constant 0 : i32
      %dma_wait3A_29 = tpu.memref_slice %arg7[%multiple_of3A, %dma_wait3A_28] : memref<10000x64xf32, #tpu.memory_space<vmem_shared>> -> memref<624x64xf32, #tpu.memory_space<vmem_shared>>
      tpu.wait_dma2 semaphore(%run_scoped3A : memref<!tpu.dma_semaphore, #tpu.memory_space<semaphore_mem>>) src(%dma_wait3A_29 : memref<624x64xf32, #tpu.memory_space<vmem_shared>>) dst(%dma_wait3A_27 : memref<624x64xf32, #tpu.memory_space<hbm>>)
      tpu.yield
    }) : () -> ()
    %eq3A_11 = arith.constant 0 : i32
    %eq3A_12 = arith.cmpi eq, %arg1, %eq3A_11 : i32
    %convert_element_type3A_13 = arith.extui %eq3A_12 : i1 to i32
    %cond3A_14 = arith.constant 0 : i32
    %cond3A_15 = arith.cmpi ne, %convert_element_type3A_13, %cond3A_14 : i32
    scf.if %cond3A_15 {
      "tpu.region"() ({
        %run_scoped3A = tpu.sem_alloc : memref<!tpu.dma_semaphore, #tpu.memory_space<semaphore_mem>>
        %dma_start3A = arith.constant 0 : i32
        %dma_start3A_16 = arith.constant 0 : i32
        %dma_start3A_17 = tpu.memref_slice %arg6[%arg0, %dma_start3A, %dma_start3A_16] : memref<2x10000x64xf32, #tpu.memory_space<hbm>> -> memref<1x10000x64xf32, #tpu.memory_space<hbm>>
        %dma_start3A_18 = tpu.memref_squeeze %dma_start3A_17 : memref<1x10000x64xf32, #tpu.memory_space<hbm>> -> memref<10000x64xf32, #tpu.memory_space<hbm>>
        %dma_start3A_19 = arith.constant 9984 : i32
        %dma_start3A_20 = arith.constant 0 : i32
        %dma_start3A_21 = tpu.memref_slice %dma_start3A_18[%dma_start3A_19, %dma_start3A_20] : memref<10000x64xf32, #tpu.memory_space<hbm>> -> memref<16x64xf32, #tpu.memory_space<hbm>>
        %dma_start3A_22 = arith.constant 9984 : i32
        %dma_start3A_23 = arith.constant 0 : i32
        %dma_start3A_24 = tpu.memref_slice %arg7[%dma_start3A_22, %dma_start3A_23] : memref<10000x64xf32, #tpu.memory_space<vmem_shared>> -> memref<16x64xf32, #tpu.memory_space<vmem_shared>>
        tpu.enqueue_dma source(%dma_start3A_24 : memref<16x64xf32, #tpu.memory_space<vmem_shared>>) target(%dma_start3A_21 : memref<16x64xf32, #tpu.memory_space<hbm>>) target_semaphore(%run_scoped3A : memref<!tpu.dma_semaphore, #tpu.memory_space<semaphore_mem>>)
        %dma_wait3A = arith.constant 0 : i32
        %dma_wait3A_25 = arith.constant 0 : i32
        %dma_wait3A_26 = tpu.memref_slice %arg6[%arg0, %dma_wait3A, %dma_wait3A_25] : memref<2x10000x64xf32, #tpu.memory_space<hbm>> -> memref<1x10000x64xf32, #tpu.memory_space<hbm>>
        %dma_wait3A_27 = tpu.memref_squeeze %dma_wait3A_26 : memref<1x10000x64xf32, #tpu.memory_space<hbm>> -> memref<10000x64xf32, #tpu.memory_space<hbm>>
        %dma_wait3A_28 = arith.constant 9984 : i32
        %dma_wait3A_29 = arith.constant 0 : i32
        %dma_wait3A_30 = tpu.memref_slice %dma_wait3A_27[%dma_wait3A_28, %dma_wait3A_29] : memref<10000x64xf32, #tpu.memory_space<hbm>> -> memref<16x64xf32, #tpu.memory_space<hbm>>
        %dma_wait3A_31 = arith.constant 9984 : i32
        %dma_wait3A_32 = arith.constant 0 : i32
        %dma_wait3A_33 = tpu.memref_slice %arg7[%dma_wait3A_31, %dma_wait3A_32] : memref<10000x64xf32, #tpu.memory_space<vmem_shared>> -> memref<16x64xf32, #tpu.memory_space<vmem_shared>>
        tpu.wait_dma2 semaphore(%run_scoped3A : memref<!tpu.dma_semaphore, #tpu.memory_space<semaphore_mem>>) src(%dma_wait3A_33 : memref<16x64xf32, #tpu.memory_space<vmem_shared>>) dst(%dma_wait3A_30 : memref<16x64xf32, #tpu.memory_space<hbm>>)
        tpu.yield
      }) : () -> ()
    } else {
    }
    return
  }
}

#map = affine_map<(d0, d1) -> (0, 0)>
#map1 = affine_map<(d0, d1) -> (0, 0, 0)>
module attributes {stable_mosaic.version = 14 : i64} {
  func.func @_spmm_sc(%arg0: i32, %arg1: i32, %arg2: memref<10000x64xf32, #tpu.memory_space<hbm>>, %arg3: memref<32x80x125xi32, #tpu.memory_space<hbm>>, %arg4: memref<32x80x125xi32, #tpu.memory_space<hbm>>, %arg5: memref<624x64xf32, #tpu.memory_space<hbm>>, %arg6: memref<2x10000x64xf32, #tpu.memory_space<hbm>>, %arg7: memref<10000x64xf32, #tpu.memory_space<vmem_shared>>, %arg8: memref<80x125xi32, #tpu.memory_space<vmem>>, %arg9: memref<80x125xi32, #tpu.memory_space<vmem>>, %arg10: memref<125x64xf32, #tpu.memory_space<vmem>>, %arg11: memref<125x64xf32, #tpu.memory_space<vmem>>, %arg12: memref<125x64xf32, #tpu.memory_space<vmem>>, %arg13: memref<125x64xf32, #tpu.memory_space<vmem>>, %arg14: memref<!tpu.dma_semaphore, #tpu.memory_space<semaphore_mem>>, %arg15: memref<!tpu.dma_semaphore, #tpu.memory_space<semaphore_mem>>, %arg16: memref<!tpu.dma_semaphore, #tpu.memory_space<semaphore_mem>>, %arg17: memref<!tpu.dma_semaphore, #tpu.memory_space<semaphore_mem>>, %arg18: memref<!tpu.dma_semaphore, #tpu.memory_space<semaphore_mem>>, %arg19: memref<!tpu.dma_semaphore, #tpu.memory_space<semaphore_mem>>, %arg20: memref<!tpu.dma_semaphore, #tpu.memory_space<semaphore_mem>>, %arg21: memref<!tpu.dma_semaphore, #tpu.memory_space<semaphore_mem>>) attributes {dimension_semantics = [#tpu.dimension_semantics<core_parallel>, #tpu.dimension_semantics<subcore_parallel>], iteration_bounds = array<i64: 2, 16>, scalar_prefetch = 0 : i64, scratch_operands = 15 : i64, tpu.core_type = #tpu.core_type<sc_vector_subcore>, window_params = [{transform_indices = #map}, {transform_indices = #map1}, {transform_indices = #map1}, {transform_indices = #map}, {transform_indices = #map1}]} {
    %mul3A = arith.constant 16 : i32
    %mul3A_0 = arith.muli %arg0, %mul3A : i32
    %add3A = arith.addi %mul3A_0, %arg1 : i32
    %mul3A_1 = arith.constant 624 : i32
    %mul3A_2 = arith.muli %arg1, %mul3A_1 : i32
    %multiple_of3A = tpu.assume_multiple %mul3A_2, 8 : i32
    "tpu.region"() ({
      %run_scoped3A = tpu.sem_alloc : memref<!tpu.dma_semaphore, #tpu.memory_space<semaphore_mem>>
      %dma_start3A = arith.constant 0 : i32
      %dma_start3A_16 = tpu.memref_slice %arg7[%multiple_of3A, %dma_start3A] : memref<10000x64xf32, #tpu.memory_space<vmem_shared>> -> memref<624x64xf32, #tpu.memory_space<vmem_shared>>
      %dma_start3A_17 = arith.constant 0 : i32
      %dma_start3A_18 = arith.constant 0 : i32
      %dma_start3A_19 = tpu.memref_slice %arg5[%dma_start3A_17, %dma_start3A_18] : memref<624x64xf32, #tpu.memory_space<hbm>> -> memref<624x64xf32, #tpu.memory_space<hbm>>
      tpu.enqueue_dma source(%dma_start3A_19 : memref<624x64xf32, #tpu.memory_space<hbm>>) target(%dma_start3A_16 : memref<624x64xf32, #tpu.memory_space<vmem_shared>>) target_semaphore(%run_scoped3A : memref<!tpu.dma_semaphore, #tpu.memory_space<semaphore_mem>>)
      %dma_wait3A = arith.constant 0 : i32
      %dma_wait3A_20 = tpu.memref_slice %arg7[%multiple_of3A, %dma_wait3A] : memref<10000x64xf32, #tpu.memory_space<vmem_shared>> -> memref<624x64xf32, #tpu.memory_space<vmem_shared>>
      %dma_wait3A_21 = arith.constant 0 : i32
      %dma_wait3A_22 = arith.constant 0 : i32
      %dma_wait3A_23 = tpu.memref_slice %arg5[%dma_wait3A_21, %dma_wait3A_22] : memref<624x64xf32, #tpu.memory_space<hbm>> -> memref<624x64xf32, #tpu.memory_space<hbm>>
      tpu.wait_dma2 semaphore(%run_scoped3A : memref<!tpu.dma_semaphore, #tpu.memory_space<semaphore_mem>>) src(%dma_wait3A_23 : memref<624x64xf32, #tpu.memory_space<hbm>>) dst(%dma_wait3A_20 : memref<624x64xf32, #tpu.memory_space<vmem_shared>>)
      tpu.yield
    }) : () -> ()
    %eq3A = arith.constant 0 : i32
    %eq3A_3 = arith.cmpi eq, %arg1, %eq3A : i32
    %convert_element_type3A = arith.extui %eq3A_3 : i1 to i32
    %cond3A = arith.constant 0 : i32
    %cond3A_4 = arith.cmpi ne, %convert_element_type3A, %cond3A : i32
    scf.if %cond3A_4 {
      "tpu.region"() ({
        %run_scoped3A = tpu.sem_alloc : memref<!tpu.dma_semaphore, #tpu.memory_space<semaphore_mem>>
        %dma_start3A = arith.constant 9984 : i32
        %dma_start3A_16 = arith.constant 0 : i32
        %dma_start3A_17 = tpu.memref_slice %arg7[%dma_start3A, %dma_start3A_16] : memref<10000x64xf32, #tpu.memory_space<vmem_shared>> -> memref<16x64xf32, #tpu.memory_space<vmem_shared>>
        %dma_start3A_18 = arith.constant 0 : i32
        %dma_start3A_19 = arith.constant 0 : i32
        %dma_start3A_20 = tpu.memref_slice %arg5[%dma_start3A_18, %dma_start3A_19] : memref<624x64xf32, #tpu.memory_space<hbm>> -> memref<16x64xf32, #tpu.memory_space<hbm>>
        tpu.enqueue_dma source(%dma_start3A_20 : memref<16x64xf32, #tpu.memory_space<hbm>>) target(%dma_start3A_17 : memref<16x64xf32, #tpu.memory_space<vmem_shared>>) target_semaphore(%run_scoped3A : memref<!tpu.dma_semaphore, #tpu.memory_space<semaphore_mem>>)
        %dma_wait3A = arith.constant 9984 : i32
        %dma_wait3A_21 = arith.constant 0 : i32
        %dma_wait3A_22 = tpu.memref_slice %arg7[%dma_wait3A, %dma_wait3A_21] : memref<10000x64xf32, #tpu.memory_space<vmem_shared>> -> memref<16x64xf32, #tpu.memory_space<vmem_shared>>
        %dma_wait3A_23 = arith.constant 0 : i32
        %dma_wait3A_24 = arith.constant 0 : i32
        %dma_wait3A_25 = tpu.memref_slice %arg5[%dma_wait3A_23, %dma_wait3A_24] : memref<624x64xf32, #tpu.memory_space<hbm>> -> memref<16x64xf32, #tpu.memory_space<hbm>>
        tpu.wait_dma2 semaphore(%run_scoped3A : memref<!tpu.dma_semaphore, #tpu.memory_space<semaphore_mem>>) src(%dma_wait3A_25 : memref<16x64xf32, #tpu.memory_space<hbm>>) dst(%dma_wait3A_22 : memref<16x64xf32, #tpu.memory_space<vmem_shared>>)
        tpu.yield
      }) : () -> ()
    } else {
    }
    "tpu.region"() ({
      %run_scoped3A = tpu.sem_alloc : memref<!tpu.dma_semaphore, #tpu.memory_space<semaphore_mem>>
      %dma_start3A = arith.constant 0 : i32
      %dma_start3A_16 = arith.constant 0 : i32
      %dma_start3A_17 = tpu.memref_slice %arg3[%add3A, %dma_start3A, %dma_start3A_16] : memref<32x80x125xi32, #tpu.memory_space<hbm>> -> memref<1x80x125xi32, #tpu.memory_space<hbm>>
      %dma_start3A_18 = tpu.memref_squeeze %dma_start3A_17 : memref<1x80x125xi32, #tpu.memory_space<hbm>> -> memref<80x125xi32, #tpu.memory_space<hbm>>
      %dma_start3A_19 = arith.constant 0 : i32
      %dma_start3A_20 = arith.constant 0 : i32
      %dma_start3A_21 = tpu.memref_slice %arg3[%add3A, %dma_start3A_19, %dma_start3A_20] : memref<32x80x125xi32, #tpu.memory_space<hbm>> -> memref<1x80x125xi32, #tpu.memory_space<hbm>>
      %dma_start3A_22 = tpu.memref_squeeze %dma_start3A_21 : memref<1x80x125xi32, #tpu.memory_space<hbm>> -> memref<80x125xi32, #tpu.memory_space<hbm>>
      tpu.enqueue_dma source(%dma_start3A_22 : memref<80x125xi32, #tpu.memory_space<hbm>>) target(%arg8 : memref<80x125xi32, #tpu.memory_space<vmem>>) target_semaphore(%run_scoped3A : memref<!tpu.dma_semaphore, #tpu.memory_space<semaphore_mem>>)
      %dma_wait3A = arith.constant 0 : i32
      %dma_wait3A_23 = arith.constant 0 : i32
      %dma_wait3A_24 = tpu.memref_slice %arg3[%add3A, %dma_wait3A, %dma_wait3A_23] : memref<32x80x125xi32, #tpu.memory_space<hbm>> -> memref<1x80x125xi32, #tpu.memory_space<hbm>>
      %dma_wait3A_25 = tpu.memref_squeeze %dma_wait3A_24 : memref<1x80x125xi32, #tpu.memory_space<hbm>> -> memref<80x125xi32, #tpu.memory_space<hbm>>
      %dma_wait3A_26 = arith.constant 0 : i32
      %dma_wait3A_27 = arith.constant 0 : i32
      %dma_wait3A_28 = tpu.memref_slice %arg3[%add3A, %dma_wait3A_26, %dma_wait3A_27] : memref<32x80x125xi32, #tpu.memory_space<hbm>> -> memref<1x80x125xi32, #tpu.memory_space<hbm>>
      %dma_wait3A_29 = tpu.memref_squeeze %dma_wait3A_28 : memref<1x80x125xi32, #tpu.memory_space<hbm>> -> memref<80x125xi32, #tpu.memory_space<hbm>>
      tpu.wait_dma2 semaphore(%run_scoped3A : memref<!tpu.dma_semaphore, #tpu.memory_space<semaphore_mem>>) src(%dma_wait3A_29 : memref<80x125xi32, #tpu.memory_space<hbm>>) dst(%arg8 : memref<80x125xi32, #tpu.memory_space<vmem>>)
      tpu.yield
    }) : () -> ()
    "tpu.region"() ({
      %run_scoped3A = tpu.sem_alloc : memref<!tpu.dma_semaphore, #tpu.memory_space<semaphore_mem>>
      %dma_start3A = arith.constant 0 : i32
      %dma_start3A_16 = arith.constant 0 : i32
      %dma_start3A_17 = tpu.memref_slice %arg4[%add3A, %dma_start3A, %dma_start3A_16] : memref<32x80x125xi32, #tpu.memory_space<hbm>> -> memref<1x80x125xi32, #tpu.memory_space<hbm>>
      %dma_start3A_18 = tpu.memref_squeeze %dma_start3A_17 : memref<1x80x125xi32, #tpu.memory_space<hbm>> -> memref<80x125xi32, #tpu.memory_space<hbm>>
      %dma_start3A_19 = arith.constant 0 : i32
      %dma_start3A_20 = arith.constant 0 : i32
      %dma_start3A_21 = tpu.memref_slice %arg4[%add3A, %dma_start3A_19, %dma_start3A_20] : memref<32x80x125xi32, #tpu.memory_space<hbm>> -> memref<1x80x125xi32, #tpu.memory_space<hbm>>
      %dma_start3A_22 = tpu.memref_squeeze %dma_start3A_21 : memref<1x80x125xi32, #tpu.memory_space<hbm>> -> memref<80x125xi32, #tpu.memory_space<hbm>>
      tpu.enqueue_dma source(%dma_start3A_22 : memref<80x125xi32, #tpu.memory_space<hbm>>) target(%arg9 : memref<80x125xi32, #tpu.memory_space<vmem>>) target_semaphore(%run_scoped3A : memref<!tpu.dma_semaphore, #tpu.memory_space<semaphore_mem>>)
      %dma_wait3A = arith.constant 0 : i32
      %dma_wait3A_23 = arith.constant 0 : i32
      %dma_wait3A_24 = tpu.memref_slice %arg4[%add3A, %dma_wait3A, %dma_wait3A_23] : memref<32x80x125xi32, #tpu.memory_space<hbm>> -> memref<1x80x125xi32, #tpu.memory_space<hbm>>
      %dma_wait3A_25 = tpu.memref_squeeze %dma_wait3A_24 : memref<1x80x125xi32, #tpu.memory_space<hbm>> -> memref<80x125xi32, #tpu.memory_space<hbm>>
      %dma_wait3A_26 = arith.constant 0 : i32
      %dma_wait3A_27 = arith.constant 0 : i32
      %dma_wait3A_28 = tpu.memref_slice %arg4[%add3A, %dma_wait3A_26, %dma_wait3A_27] : memref<32x80x125xi32, #tpu.memory_space<hbm>> -> memref<1x80x125xi32, #tpu.memory_space<hbm>>
      %dma_wait3A_29 = tpu.memref_squeeze %dma_wait3A_28 : memref<1x80x125xi32, #tpu.memory_space<hbm>> -> memref<80x125xi32, #tpu.memory_space<hbm>>
      tpu.wait_dma2 semaphore(%run_scoped3A : memref<!tpu.dma_semaphore, #tpu.memory_space<semaphore_mem>>) src(%dma_wait3A_29 : memref<80x125xi32, #tpu.memory_space<hbm>>) dst(%arg9 : memref<80x125xi32, #tpu.memory_space<vmem>>)
      tpu.yield
    }) : () -> ()
    %barrier3A = arith.constant 0 : index
    tpu.barrier barrier_id(%barrier3A)
    %scan3A = arith.constant 0 : i32
    %scan3A_5 = arith.constant 0 : i32
    %scan3A_6 = arith.constant 20 : i32
    %scan3A_7 = arith.addi %scan3A_5, %scan3A_6 : i32
    %scan3A_8 = arith.constant 1 : i32
    scf.for %scan3A_16 = %scan3A_5 to %scan3A_7 step %scan3A_8  : i32 {
      %mul3A_17 = arith.constant 4 : i32
      %mul3A_18 = arith.muli %scan3A_16, %mul3A_17 : i32
      %add3A_19 = arith.constant 0 : i32
      %add3A_20 = arith.addi %mul3A_18, %add3A_19 : i32
      %ge3A = arith.constant 2 : i32
      %ge3A_21 = arith.cmpi sge, %add3A_20, %ge3A : i32
      %add3A_22 = arith.constant 2 : i32
      %add3A_23 = arith.addi %add3A_20, %add3A_22 : i32
      %lt3A = arith.constant 80 : i32
      %lt3A_24 = arith.cmpi slt, %add3A_23, %lt3A : i32
      %and3A = arith.andi %ge3A_21, %lt3A_24 : i1
      %convert_element_type3A_25 = arith.extui %and3A : i1 to i32
      %cond3A_26 = arith.constant 0 : i32
      %cond3A_27 = arith.cmpi ne, %convert_element_type3A_25, %cond3A_26 : i32
      scf.if %cond3A_27 {
        %sub3A = arith.constant 2 : i32
        %sub3A_98 = arith.subi %add3A_20, %sub3A : i32
      } else {
      }
      %add3A_28 = arith.constant 2 : i32
      %add3A_29 = arith.addi %add3A_20, %add3A_28 : i32
      %lt3A_30 = arith.constant 80 : i32
      %lt3A_31 = arith.cmpi slt, %add3A_29, %lt3A_30 : i32
      %convert_element_type3A_32 = arith.extui %lt3A_31 : i1 to i32
      %cond3A_33 = arith.constant 0 : i32
      %cond3A_34 = arith.cmpi ne, %convert_element_type3A_32, %cond3A_33 : i32
      scf.if %cond3A_34 {
        %add3A_98 = arith.constant 2 : i32
        %add3A_99 = arith.addi %add3A_20, %add3A_98 : i32
      } else {
      }
      %mul3A_35 = arith.constant 4 : i32
      %mul3A_36 = arith.muli %scan3A_16, %mul3A_35 : i32
      %add3A_37 = arith.constant 1 : i32
      %add3A_38 = arith.addi %mul3A_36, %add3A_37 : i32
      %ge3A_39 = arith.constant 2 : i32
      %ge3A_40 = arith.cmpi sge, %add3A_38, %ge3A_39 : i32
      %add3A_41 = arith.constant 2 : i32
      %add3A_42 = arith.addi %add3A_38, %add3A_41 : i32
      %lt3A_43 = arith.constant 80 : i32
      %lt3A_44 = arith.cmpi slt, %add3A_42, %lt3A_43 : i32
      %and3A_45 = arith.andi %ge3A_40, %lt3A_44 : i1
      %convert_element_type3A_46 = arith.extui %and3A_45 : i1 to i32
      %cond3A_47 = arith.constant 0 : i32
      %cond3A_48 = arith.cmpi ne, %convert_element_type3A_46, %cond3A_47 : i32
      scf.if %cond3A_48 {
        %sub3A = arith.constant 2 : i32
        %sub3A_98 = arith.subi %add3A_38, %sub3A : i32
      } else {
      }
      %add3A_49 = arith.constant 2 : i32
      %add3A_50 = arith.addi %add3A_38, %add3A_49 : i32
      %lt3A_51 = arith.constant 80 : i32
      %lt3A_52 = arith.cmpi slt, %add3A_50, %lt3A_51 : i32
      %convert_element_type3A_53 = arith.extui %lt3A_52 : i1 to i32
      %cond3A_54 = arith.constant 0 : i32
      %cond3A_55 = arith.cmpi ne, %convert_element_type3A_53, %cond3A_54 : i32
      scf.if %cond3A_55 {
        %add3A_98 = arith.constant 2 : i32
        %add3A_99 = arith.addi %add3A_38, %add3A_98 : i32
      } else {
      }
      %mul3A_56 = arith.constant 4 : i32
      %mul3A_57 = arith.muli %scan3A_16, %mul3A_56 : i32
      %add3A_58 = arith.constant 2 : i32
      %add3A_59 = arith.addi %mul3A_57, %add3A_58 : i32
      %ge3A_60 = arith.constant 2 : i32
      %ge3A_61 = arith.cmpi sge, %add3A_59, %ge3A_60 : i32
      %add3A_62 = arith.constant 2 : i32
      %add3A_63 = arith.addi %add3A_59, %add3A_62 : i32
      %lt3A_64 = arith.constant 80 : i32
      %lt3A_65 = arith.cmpi slt, %add3A_63, %lt3A_64 : i32
      %and3A_66 = arith.andi %ge3A_61, %lt3A_65 : i1
      %convert_element_type3A_67 = arith.extui %and3A_66 : i1 to i32
      %cond3A_68 = arith.constant 0 : i32
      %cond3A_69 = arith.cmpi ne, %convert_element_type3A_67, %cond3A_68 : i32
      scf.if %cond3A_69 {
        %sub3A = arith.constant 2 : i32
        %sub3A_98 = arith.subi %add3A_59, %sub3A : i32
      } else {
      }
      %add3A_70 = arith.constant 2 : i32
      %add3A_71 = arith.addi %add3A_59, %add3A_70 : i32
      %lt3A_72 = arith.constant 80 : i32
      %lt3A_73 = arith.cmpi slt, %add3A_71, %lt3A_72 : i32
      %convert_element_type3A_74 = arith.extui %lt3A_73 : i1 to i32
      %cond3A_75 = arith.constant 0 : i32
      %cond3A_76 = arith.cmpi ne, %convert_element_type3A_74, %cond3A_75 : i32
      scf.if %cond3A_76 {
        %add3A_98 = arith.constant 2 : i32
        %add3A_99 = arith.addi %add3A_59, %add3A_98 : i32
      } else {
      }
      %mul3A_77 = arith.constant 4 : i32
      %mul3A_78 = arith.muli %scan3A_16, %mul3A_77 : i32
      %add3A_79 = arith.constant 3 : i32
      %add3A_80 = arith.addi %mul3A_78, %add3A_79 : i32
      %ge3A_81 = arith.constant 2 : i32
      %ge3A_82 = arith.cmpi sge, %add3A_80, %ge3A_81 : i32
      %add3A_83 = arith.constant 2 : i32
      %add3A_84 = arith.addi %add3A_80, %add3A_83 : i32
      %lt3A_85 = arith.constant 80 : i32
      %lt3A_86 = arith.cmpi slt, %add3A_84, %lt3A_85 : i32
      %and3A_87 = arith.andi %ge3A_82, %lt3A_86 : i1
      %convert_element_type3A_88 = arith.extui %and3A_87 : i1 to i32
      %cond3A_89 = arith.constant 0 : i32
      %cond3A_90 = arith.cmpi ne, %convert_element_type3A_88, %cond3A_89 : i32
      scf.if %cond3A_90 {
        %sub3A = arith.constant 2 : i32
        %sub3A_98 = arith.subi %add3A_80, %sub3A : i32
      } else {
      }
      %add3A_91 = arith.constant 2 : i32
      %add3A_92 = arith.addi %add3A_80, %add3A_91 : i32
      %lt3A_93 = arith.constant 80 : i32
      %lt3A_94 = arith.cmpi slt, %add3A_92, %lt3A_93 : i32
      %convert_element_type3A_95 = arith.extui %lt3A_94 : i1 to i32
      %cond3A_96 = arith.constant 0 : i32
      %cond3A_97 = arith.cmpi ne, %convert_element_type3A_95, %cond3A_96 : i32
      scf.if %cond3A_97 {
        %add3A_98 = arith.constant 2 : i32
        %add3A_99 = arith.addi %add3A_80, %add3A_98 : i32
      } else {
      }
    }
    %scan3A_9 = arith.constant 20 : i32
    %barrier3A_10 = arith.constant 0 : index
    tpu.barrier barrier_id(%barrier3A_10)
    "tpu.region"() ({
      %run_scoped3A = tpu.sem_alloc : memref<!tpu.dma_semaphore, #tpu.memory_space<semaphore_mem>>
      %dma_start3A = arith.constant 0 : i32
      %dma_start3A_16 = arith.constant 0 : i32
      %dma_start3A_17 = tpu.memref_slice %arg6[%arg0, %dma_start3A, %dma_start3A_16] : memref<2x10000x64xf32, #tpu.memory_space<hbm>> -> memref<1x10000x64xf32, #tpu.memory_space<hbm>>
      %dma_start3A_18 = tpu.memref_squeeze %dma_start3A_17 : memref<1x10000x64xf32, #tpu.memory_space<hbm>> -> memref<10000x64xf32, #tpu.memory_space<hbm>>
      %dma_start3A_19 = arith.constant 0 : i32
      %dma_start3A_20 = tpu.memref_slice %dma_start3A_18[%multiple_of3A, %dma_start3A_19] : memref<10000x64xf32, #tpu.memory_space<hbm>> -> memref<624x64xf32, #tpu.memory_space<hbm>>
      %dma_start3A_21 = arith.constant 0 : i32
      %dma_start3A_22 = tpu.memref_slice %arg7[%multiple_of3A, %dma_start3A_21] : memref<10000x64xf32, #tpu.memory_space<vmem_shared>> -> memref<624x64xf32, #tpu.memory_space<vmem_shared>>
      tpu.enqueue_dma source(%dma_start3A_22 : memref<624x64xf32, #tpu.memory_space<vmem_shared>>) target(%dma_start3A_20 : memref<624x64xf32, #tpu.memory_space<hbm>>) target_semaphore(%run_scoped3A : memref<!tpu.dma_semaphore, #tpu.memory_space<semaphore_mem>>)
      %dma_wait3A = arith.constant 0 : i32
      %dma_wait3A_23 = arith.constant 0 : i32
      %dma_wait3A_24 = tpu.memref_slice %arg6[%arg0, %dma_wait3A, %dma_wait3A_23] : memref<2x10000x64xf32, #tpu.memory_space<hbm>> -> memref<1x10000x64xf32, #tpu.memory_space<hbm>>
      %dma_wait3A_25 = tpu.memref_squeeze %dma_wait3A_24 : memref<1x10000x64xf32, #tpu.memory_space<hbm>> -> memref<10000x64xf32, #tpu.memory_space<hbm>>
      %dma_wait3A_26 = arith.constant 0 : i32
      %dma_wait3A_27 = tpu.memref_slice %dma_wait3A_25[%multiple_of3A, %dma_wait3A_26] : memref<10000x64xf32, #tpu.memory_space<hbm>> -> memref<624x64xf32, #tpu.memory_space<hbm>>
      %dma_wait3A_28 = arith.constant 0 : i32
      %dma_wait3A_29 = tpu.memref_slice %arg7[%multiple_of3A, %dma_wait3A_28] : memref<10000x64xf32, #tpu.memory_space<vmem_shared>> -> memref<624x64xf32, #tpu.memory_space<vmem_shared>>
      tpu.wait_dma2 semaphore(%run_scoped3A : memref<!tpu.dma_semaphore, #tpu.memory_space<semaphore_mem>>) src(%dma_wait3A_29 : memref<624x64xf32, #tpu.memory_space<vmem_shared>>) dst(%dma_wait3A_27 : memref<624x64xf32, #tpu.memory_space<hbm>>)
      tpu.yield
    }) : () -> ()
    %eq3A_11 = arith.constant 0 : i32
    %eq3A_12 = arith.cmpi eq, %arg1, %eq3A_11 : i32
    %convert_element_type3A_13 = arith.extui %eq3A_12 : i1 to i32
    %cond3A_14 = arith.constant 0 : i32
    %cond3A_15 = arith.cmpi ne, %convert_element_type3A_13, %cond3A_14 : i32
    scf.if %cond3A_15 {
      "tpu.region"() ({
        %run_scoped3A = tpu.sem_alloc : memref<!tpu.dma_semaphore, #tpu.memory_space<semaphore_mem>>
        %dma_start3A = arith.constant 0 : i32
        %dma_start3A_16 = arith.constant 0 : i32
        %dma_start3A_17 = tpu.memref_slice %arg6[%arg0, %dma_start3A, %dma_start3A_16] : memref<2x10000x64xf32, #tpu.memory_space<hbm>> -> memref<1x10000x64xf32, #tpu.memory_space<hbm>>
        %dma_start3A_18 = tpu.memref_squeeze %dma_start3A_17 : memref<1x10000x64xf32, #tpu.memory_space<hbm>> -> memref<10000x64xf32, #tpu.memory_space<hbm>>
        %dma_start3A_19 = arith.constant 9984 : i32
        %dma_start3A_20 = arith.constant 0 : i32
        %dma_start3A_21 = tpu.memref_slice %dma_start3A_18[%dma_start3A_19, %dma_start3A_20] : memref<10000x64xf32, #tpu.memory_space<hbm>> -> memref<16x64xf32, #tpu.memory_space<hbm>>
        %dma_start3A_22 = arith.constant 9984 : i32
        %dma_start3A_23 = arith.constant 0 : i32
        %dma_start3A_24 = tpu.memref_slice %arg7[%dma_start3A_22, %dma_start3A_23] : memref<10000x64xf32, #tpu.memory_space<vmem_shared>> -> memref<16x64xf32, #tpu.memory_space<vmem_shared>>
        tpu.enqueue_dma source(%dma_start3A_24 : memref<16x64xf32, #tpu.memory_space<vmem_shared>>) target(%dma_start3A_21 : memref<16x64xf32, #tpu.memory_space<hbm>>) target_semaphore(%run_scoped3A : memref<!tpu.dma_semaphore, #tpu.memory_space<semaphore_mem>>)
        %dma_wait3A = arith.constant 0 : i32
        %dma_wait3A_25 = arith.constant 0 : i32
        %dma_wait3A_26 = tpu.memref_slice %arg6[%arg0, %dma_wait3A, %dma_wait3A_25] : memref<2x10000x64xf32, #tpu.memory_space<hbm>> -> memref<1x10000x64xf32, #tpu.memory_space<hbm>>
        %dma_wait3A_27 = tpu.memref_squeeze %dma_wait3A_26 : memref<1x10000x64xf32, #tpu.memory_space<hbm>> -> memref<10000x64xf32, #tpu.memory_space<hbm>>
        %dma_wait3A_28 = arith.constant 9984 : i32
        %dma_wait3A_29 = arith.constant 0 : i32
        %dma_wait3A_30 = tpu.memref_slice %dma_wait3A_27[%dma_wait3A_28, %dma_wait3A_29] : memref<10000x64xf32, #tpu.memory_space<hbm>> -> memref<16x64xf32, #tpu.memory_space<hbm>>
        %dma_wait3A_31 = arith.constant 9984 : i32
        %dma_wait3A_32 = arith.constant 0 : i32
        %dma_wait3A_33 = tpu.memref_slice %arg7[%dma_wait3A_31, %dma_wait3A_32] : memref<10000x64xf32, #tpu.memory_space<vmem_shared>> -> memref<16x64xf32, #tpu.memory_space<vmem_shared>>
        tpu.wait_dma2 semaphore(%run_scoped3A : memref<!tpu.dma_semaphore, #tpu.memory_space<semaphore_mem>>) src(%dma_wait3A_33 : memref<16x64xf32, #tpu.memory_space<vmem_shared>>) dst(%dma_wait3A_30 : memref<16x64xf32, #tpu.memory_space<hbm>>)
        tpu.yield
      }) : () -> ()
    } else {
    }
    return
  }
}

module attributes {stable_mosaic.version = 14 : i64} {
  func.func @_emb_body(%arg0: memref<10000x128xf32, #tpu.memory_space<vmem>>, %arg1: memref<128x64xf32, #tpu.memory_space<vmem>>, %arg2: memref<10000x64xf32, #tpu.memory_space<vmem>>) attributes {dimension_semantics = [], scalar_prefetch = 0 : i64, scratch_operands = 0 : i64, tpu.core_type = #tpu.core_type<tc>} {
    %get3A = arith.constant 0 : index
    %get3A_0 = arith.constant 0 : index
    %get3A_1 = vector.load %arg0[%get3A, %get3A_0] : memref<10000x128xf32, #tpu.memory_space<vmem>>, vector<10000x128xf32>
    %get3A_2 = arith.constant 0 : index
    %get3A_3 = arith.constant 0 : index
    %get3A_4 = vector.load %arg1[%get3A_2, %get3A_3] : memref<128x64xf32, #tpu.memory_space<vmem>>, vector<128x64xf32>
    %dot_general3A = arith.constant dense<0.000000e+00> : vector<10000x64xf32>
    %dot_general3A_5 = tpu.matmul %get3A_1, %get3A_4, %dot_general3A {dimension_numbers = #tpu.dot_dimension_numbers<[1], [0], [0], [1], [0, 0, 1, 1], [], []>, transpose_lhs_hint = false} : vector<10000x128xf32>, vector<128x64xf32>, vector<10000x64xf32> -> vector<10000x64xf32>
    %swap3A = arith.constant 0 : index
    %swap3A_6 = arith.constant 0 : index
    %swap3A_7 = vector.load %arg2[%swap3A, %swap3A_6] : memref<10000x64xf32, #tpu.memory_space<vmem>>, vector<10000x64xf32>
    tpu.vector_store %arg2[%swap3A, %swap3A_6], %dot_general3A_5 {strides = array<i32>} : memref<10000x64xf32, #tpu.memory_space<vmem>>, vector<10000x64xf32>,
    return
  }
}

module attributes {stable_mosaic.version = 14 : i64} {
  func.func @_layer0_body(%arg0: memref<2x10000x64xf32, #tpu.memory_space<vmem>>, %arg1: memref<64x64xf32, #tpu.memory_space<vmem>>, %arg2: memref<1x64xf32, #tpu.memory_space<vmem>>, %arg3: memref<10000x64xf32, #tpu.memory_space<vmem>>) attributes {dimension_semantics = [], scalar_prefetch = 0 : i64, scratch_operands = 0 : i64, tpu.core_type = #tpu.core_type<tc>} {
    %get3A = arith.constant 0 : index
    %get3A_0 = arith.constant 0 : index
    %get3A_1 = arith.constant 0 : index
    %get3A_2 = vector.load %arg0[%get3A, %get3A_0, %get3A_1] : memref<2x10000x64xf32, #tpu.memory_space<vmem>>, vector<1x10000x64xf32>
    %get3A_3 = vector.shape_cast %get3A_2 : vector<1x10000x64xf32> to vector<10000x64xf32>
    %get3A_4 = arith.constant 1 : index
    %get3A_5 = arith.constant 0 : index
    %get3A_6 = arith.constant 0 : index
    %get3A_7 = vector.load %arg0[%get3A_4, %get3A_5, %get3A_6] : memref<2x10000x64xf32, #tpu.memory_space<vmem>>, vector<1x10000x64xf32>
    %get3A_8 = vector.shape_cast %get3A_7 : vector<1x10000x64xf32> to vector<10000x64xf32>
    %add3A = arith.addf %get3A_3, %get3A_8 : vector<10000x64xf32>
    %get3A_9 = arith.constant 0 : index
    %get3A_10 = arith.constant 0 : index
    %get3A_11 = vector.load %arg1[%get3A_9, %get3A_10] : memref<64x64xf32, #tpu.memory_space<vmem>>, vector<64x64xf32>
    %dot_general3A = arith.constant dense<0.000000e+00> : vector<10000x64xf32>
    %dot_general3A_12 = tpu.matmul %add3A, %get3A_11, %dot_general3A {dimension_numbers = #tpu.dot_dimension_numbers<[1], [0], [0], [1], [0, 0, 1, 1], [], []>, transpose_lhs_hint = false} : vector<10000x64xf32>, vector<64x64xf32>, vector<10000x64xf32> -> vector<10000x64xf32>
    %get3A_13 = arith.constant 0 : index
    %get3A_14 = arith.constant 0 : index
    %get3A_15 = vector.load %arg2[%get3A_13, %get3A_14] : memref<1x64xf32, #tpu.memory_space<vmem>>, vector<1x64xf32>
    %add3A_16 = vector.broadcast %get3A_15 : vector<1x64xf32> to vector<10000x64xf32>
    %add3A_17 = arith.addf %dot_general3A_12, %add3A_16 : vector<10000x64xf32>
    %max3A = arith.constant 0.000000e+00 : f32
    %max3A_18 = vector.broadcast %max3A : f32 to vector<10000x64xf32>
    %max3A_19 = arith.maximumf %add3A_17, %max3A_18 : vector<10000x64xf32>
    %swap3A = arith.constant 0 : index
    %swap3A_20 = arith.constant 0 : index
    %swap3A_21 = vector.load %arg3[%swap3A, %swap3A_20] : memref<10000x64xf32, #tpu.memory_space<vmem>>, vector<10000x64xf32>
    tpu.vector_store %arg3[%swap3A, %swap3A_20], %max3A_19 {strides = array<i32>} : memref<10000x64xf32, #tpu.memory_space<vmem>>, vector<10000x64xf32>,
    return
  }
}

module attributes {stable_mosaic.version = 14 : i64} {
  func.func @_layer_res_body(%arg0: memref<2x10000x64xf32, #tpu.memory_space<vmem>>, %arg1: memref<64x64xf32, #tpu.memory_space<vmem>>, %arg2: memref<1x64xf32, #tpu.memory_space<vmem>>, %arg3: memref<10000x64xf32, #tpu.memory_space<vmem>>, %arg4: memref<10000x64xf32, #tpu.memory_space<vmem>>) attributes {dimension_semantics = [], scalar_prefetch = 0 : i64, scratch_operands = 0 : i64, tpu.core_type = #tpu.core_type<tc>} {
    %get3A = arith.constant 0 : index
    %get3A_0 = arith.constant 0 : index
    %get3A_1 = arith.constant 0 : index
    %get3A_2 = vector.load %arg0[%get3A, %get3A_0, %get3A_1] : memref<2x10000x64xf32, #tpu.memory_space<vmem>>, vector<1x10000x64xf32>
    %get3A_3 = vector.shape_cast %get3A_2 : vector<1x10000x64xf32> to vector<10000x64xf32>
    %get3A_4 = arith.constant 1 : index
    %get3A_5 = arith.constant 0 : index
    %get3A_6 = arith.constant 0 : index
    %get3A_7 = vector.load %arg0[%get3A_4, %get3A_5, %get3A_6] : memref<2x10000x64xf32, #tpu.memory_space<vmem>>, vector<1x10000x64xf32>
    %get3A_8 = vector.shape_cast %get3A_7 : vector<1x10000x64xf32> to vector<10000x64xf32>
    %add3A = arith.addf %get3A_3, %get3A_8 : vector<10000x64xf32>
    %get3A_9 = arith.constant 0 : index
    %get3A_10 = arith.constant 0 : index
    %get3A_11 = vector.load %arg1[%get3A_9, %get3A_10] : memref<64x64xf32, #tpu.memory_space<vmem>>, vector<64x64xf32>
    %dot_general3A = arith.constant dense<0.000000e+00> : vector<10000x64xf32>
    %dot_general3A_12 = tpu.matmul %add3A, %get3A_11, %dot_general3A {dimension_numbers = #tpu.dot_dimension_numbers<[1], [0], [0], [1], [0, 0, 1, 1], [], []>, transpose_lhs_hint = false} : vector<10000x64xf32>, vector<64x64xf32>, vector<10000x64xf32> -> vector<10000x64xf32>
    %get3A_13 = arith.constant 0 : index
    %get3A_14 = arith.constant 0 : index
    %get3A_15 = vector.load %arg2[%get3A_13, %get3A_14] : memref<1x64xf32, #tpu.memory_space<vmem>>, vector<1x64xf32>
    %add3A_16 = vector.broadcast %get3A_15 : vector<1x64xf32> to vector<10000x64xf32>
    %add3A_17 = arith.addf %dot_general3A_12, %add3A_16 : vector<10000x64xf32>
    %max3A = arith.constant 0.000000e+00 : f32
    %max3A_18 = vector.broadcast %max3A : f32 to vector<10000x64xf32>
    %max3A_19 = arith.maximumf %add3A_17, %max3A_18 : vector<10000x64xf32>
    %get3A_20 = arith.constant 0 : index
    %get3A_21 = arith.constant 0 : index
    %get3A_22 = vector.load %arg3[%get3A_20, %get3A_21] : memref<10000x64xf32, #tpu.memory_space<vmem>>, vector<10000x64xf32>
    %add3A_23 = arith.addf %max3A_19, %get3A_22 : vector<10000x64xf32>
    %swap3A = arith.constant 0 : index
    %swap3A_24 = arith.constant 0 : index
    %swap3A_25 = vector.load %arg4[%swap3A, %swap3A_24] : memref<10000x64xf32, #tpu.memory_space<vmem>>, vector<10000x64xf32>
    tpu.vector_store %arg4[%swap3A, %swap3A_24], %add3A_23 {strides = array<i32>} : memref<10000x64xf32, #tpu.memory_space<vmem>>, vector<10000x64xf32>,
    return
  }
}

module attributes {stable_mosaic.version = 14 : i64} {
  func.func @_layer_res_readout_body(%arg0: memref<2x10000x64xf32, #tpu.memory_space<vmem>>, %arg1: memref<64x64xf32, #tpu.memory_space<vmem>>, %arg2: memref<1x64xf32, #tpu.memory_space<vmem>>, %arg3: memref<10000x64xf32, #tpu.memory_space<vmem>>, %arg4: memref<10000x64xf32, #tpu.memory_space<vmem>>, %arg5: memref<1x64xf32, #tpu.memory_space<vmem>>) attributes {dimension_semantics = [], scalar_prefetch = 0 : i64, scratch_operands = 0 : i64, tpu.core_type = #tpu.core_type<tc>} {
    %get3A = arith.constant 0 : index
    %get3A_0 = arith.constant 0 : index
    %get3A_1 = arith.constant 0 : index
    %get3A_2 = vector.load %arg0[%get3A, %get3A_0, %get3A_1] : memref<2x10000x64xf32, #tpu.memory_space<vmem>>, vector<1x10000x64xf32>
    %get3A_3 = vector.shape_cast %get3A_2 : vector<1x10000x64xf32> to vector<10000x64xf32>
    %get3A_4 = arith.constant 1 : index
    %get3A_5 = arith.constant 0 : index
    %get3A_6 = arith.constant 0 : index
    %get3A_7 = vector.load %arg0[%get3A_4, %get3A_5, %get3A_6] : memref<2x10000x64xf32, #tpu.memory_space<vmem>>, vector<1x10000x64xf32>
    %get3A_8 = vector.shape_cast %get3A_7 : vector<1x10000x64xf32> to vector<10000x64xf32>
    %add3A = arith.addf %get3A_3, %get3A_8 : vector<10000x64xf32>
    %get3A_9 = arith.constant 0 : index
    %get3A_10 = arith.constant 0 : index
    %get3A_11 = vector.load %arg1[%get3A_9, %get3A_10] : memref<64x64xf32, #tpu.memory_space<vmem>>, vector<64x64xf32>
    %dot_general3A = arith.constant dense<0.000000e+00> : vector<10000x64xf32>
    %dot_general3A_12 = tpu.matmul %add3A, %get3A_11, %dot_general3A {dimension_numbers = #tpu.dot_dimension_numbers<[1], [0], [0], [1], [0, 0, 1, 1], [], []>, transpose_lhs_hint = false} : vector<10000x64xf32>, vector<64x64xf32>, vector<10000x64xf32> -> vector<10000x64xf32>
    %get3A_13 = arith.constant 0 : index
    %get3A_14 = arith.constant 0 : index
    %get3A_15 = vector.load %arg2[%get3A_13, %get3A_14] : memref<1x64xf32, #tpu.memory_space<vmem>>, vector<1x64xf32>
    %add3A_16 = vector.broadcast %get3A_15 : vector<1x64xf32> to vector<10000x64xf32>
    %add3A_17 = arith.addf %dot_general3A_12, %add3A_16 : vector<10000x64xf32>
    %max3A = arith.constant 0.000000e+00 : f32
    %max3A_18 = vector.broadcast %max3A : f32 to vector<10000x64xf32>
    %max3A_19 = arith.maximumf %add3A_17, %max3A_18 : vector<10000x64xf32>
    %get3A_20 = arith.constant 0 : index
    %get3A_21 = arith.constant 0 : index
    %get3A_22 = vector.load %arg3[%get3A_20, %get3A_21] : memref<10000x64xf32, #tpu.memory_space<vmem>>, vector<10000x64xf32>
    %add3A_23 = arith.addf %max3A_19, %get3A_22 : vector<10000x64xf32>
    %swap3A = arith.constant 0 : index
    %swap3A_24 = arith.constant 0 : index
    %swap3A_25 = vector.load %arg4[%swap3A, %swap3A_24] : memref<10000x64xf32, #tpu.memory_space<vmem>>, vector<10000x64xf32>
    tpu.vector_store %arg4[%swap3A, %swap3A_24], %add3A_23 {strides = array<i32>} : memref<10000x64xf32, #tpu.memory_space<vmem>>, vector<10000x64xf32>,
    %reduce_sum3A = arith.constant dense<0.000000e+00> : vector<64xf32>
    %reduce_sum3A_26 = vector.multi_reduction <add>, %add3A_23, %reduce_sum3A [0] : vector<10000x64xf32> to vector<64xf32>
    %broadcast_in_dim3A = vector.shape_cast %reduce_sum3A_26 : vector<64xf32> to vector<1x64xf32>
    %swap3A_27 = arith.constant 0 : index
    %swap3A_28 = arith.constant 0 : index
    %swap3A_29 = vector.load %arg5[%swap3A_27, %swap3A_28] : memref<1x64xf32, #tpu.memory_space<vmem>>, vector<1x64xf32>
    tpu.vector_store %arg5[%swap3A_27, %swap3A_28], %broadcast_in_dim3A {strides = array<i32>} : memref<1x64xf32, #tpu.memory_space<vmem>>, vector<1x64xf32>,
    return
  }
}

</mosaic_0001>

<sc_bundles>
// kernel: kernel.12.cloned.1.call-start
scs
__scs_entry_jumppad:
0x0: {  	(pc) =	sbr.rel $0x88, $3  }
0x1: {  	(tag) =	ssettag $0x0;
	lr =	simm.s32 $0x1  }
0x2: {  	[smem:$0x3F98] =	sst lr;
	_ =	strace $0xD0000000  }
0x3: {  	_ = 	snop  }
0x4: {  	_ = 	snop  }
0x5: {  	_ = 	snop  }
0x6: {  	_ = 	snop  }
0x7: {  	_ = 	snop  }
__scs_overlays_trampoline_lowered:
0x8: {  	[smem:$0x3FA7] =	sst s0  }
0x9: {  	[smem:$0x3FA8] =	sst s1  }
0xa: {  	[smem:$0x3FA9] =	sst s2  }
0xb: {  	[smem:$0x3FAA] =	sst s3  }
0xc: {  	[smem:$0x3FAB] =	sst s4  }
0xd: {  	[smem:$0x3FAC] =	sst s5  }
0xe: {  	[smem:$0x3FAD] =	sst s6  }
0xf: {  	[smem:$0x3FAE] =	sst s7  }
0x10: {  	[smem:$0x3FAF] =	sst s8  }
0x11: {  	[smem:$0x3FB0] =	sst s9;
	s0 =	simm.s32 @!p0 $0x0  }
0x12: {  	s1 =	sld [smem:$0x3F96];
	s0 =	simm.s32 @p0 $0x1  }
0x13: {  	[smem:$0x3FB1] =	sst s0;
	s0 =	simm.s32 @!p1 $0x0  }
0x14: {  	s2 =	sld [smem:$0x3F95];
	s0 =	simm.s32 @p1 $0x1  }
0x15: {  	[smem:$0x3FB2] =	sst s0;
	s0 =	simm.s32 @!p2 $0x0  }
0x16: {  	s3 =	sld [smem:$0x3FDB];
	s0 =	simm.s32 @p2 $0x1  }
0x17: {  	s4 =	simm.s32 $0x1BF5;
	[smem:$0x3FB4] =	sst s0  }
0x18: {  	s0 =	sld [smem:$0x3F97];
	_ =	swait.ge [sflag:s4], $0x0  }
0x19: {  	s7 =	sld [smem:$0x3F98]  }
0x1a: {  	s8 =	sadd.s32 $0xFFFFE003, lr  }
0x1b: {  	s9 =	sadd.s32 $0xFFFFFEF7, lr;
	s5 =	simm.s32 $0xFFFFFFFF;
	p2 =	slt.u32 s8, $0xFFFFF086  }
0x1c: {  	p1 =	slt.u32 s9, $0xF7A;
	s5 =	simm.s32 @!p2 $0x0  }
0x1d: {  	s5 =	simm.s32 @p1 $0x1;
	p0 =	seq.s32 s7, s2  }
0x1e: {  	s7 =	smul.u32 @!p0 $0xF7A, s2;
	p2 =	seq.s32 @!p0 s5, $0x0  }
0x1f: {  	s9 =	smul.u32 $0xF7A, s1;
	s8 =	simm.s32 @!p0 $0x1BF5;
	p2 =	por !p2, p0  }
0x20: {  	[sflag:s8] =	ssyncset.s32 @!p0 $0xFFFFF086;
	s6 =	sadd.s32 @!p0 s3, s7;
	s7 =	simm.s32 @!p0 $0x108  }
0x21: {  	s3 =	sadd.s32 s3, s9;
	s6 =	sadd.s32 @!p0 $0x88, s6;
	s7 =	simm.s32 @p2 $0x1082  }
0x22: {  	[simem:s7], [sflag:s8] =	dma.local @!p0 [hbm:s6], $0xF7A  }
0x23: {  	s9 =	sor.u32 $0xD0000000, s2;
	s6 =	simm.s32 $0x108;
	_ =	swait.ge @!p0 [sflag:s8], $0x0  }
0x24: {  	s3 =	sadd.s32 $0x88, s3;
	s6 =	simm.s32 @!p1 $0x1082;
	[sflag:s4] =	ssyncset.s32 $0xFFFFF086  }
0x25: {  	[simem:s6], [sflag:s4] =	dma.local [hbm:s3], $0xF7A  }
0x26: {  	[smem:$0x3F98] =	sst s1;
	(tag) =	ssettag s2;
	_ =	strace s9  }
0x27: {  	s1 =	sld [smem:$0x3FA8]  }
0x28: {  	s2 =	sld [smem:$0x3FA9]  }
0x29: {  	s4 =	sld [smem:$0x3FAB]  }
0x2a: {  	p0 =	seq.s32 s5, $0x0;
	s5 =	sld [smem:$0x3FAC]  }
0x2b: {  	s6 =	sld [smem:$0x3FAD]  }
0x2c: {  	s7 =	sld [smem:$0x3FAE]  }
0x2d: {  	s3 =	simm.s32 $0x108;
	s8 =	sld [smem:$0x3FAF]  }
0x2e: {  	s3 =	simm.s32 @!p0 $0x1082;
	s9 =	sld [smem:$0x3FB0]  }
0x2f: {  	lr =	sadd.s32 s0, s3;
	s0 =	sld [smem:$0x3FA7]  }
0x30: {  	s3 =	sld [smem:$0x3FAA]  }
0x31: {  	[smem:$0x3FB3] =	sst s10  }
0x32: {  	s10 =	sld [smem:$0x3FB1];
	_ =	sdelay $0x3  }
0x33: {  	p0 =	seq.s32 s10, $0x1;
	s10 =	sld [smem:$0x3FB3];
	_ =	sdelay $0x3  }
0x34: {  	[smem:$0x3FB3] =	sst s10  }
0x35: {  	s10 =	sld [smem:$0x3FB2];
	_ =	sdelay $0x3  }
0x36: {  	p1 =	seq.s32 s10, $0x1;
	s10 =	sld [smem:$0x3FB3];
	_ =	sdelay $0x3  }
0x37: {  	[smem:$0x3FB3] =	sst s10  }
0x38: {  	s10 =	sld [smem:$0x3FB4]  }
0x39: {  	_ = 	snop;
	(pc) =	sbr.ind lr, $3  }
0x3a: {  	_ = 	snop  }
0x3b: {  	_ = 	snop  }
0x3c: {  	p2 =	seq.s32 s10, $0x1;
	s10 =	sld [smem:$0x3FB3]  }
0x3d: {  	_ =	shalt  }
0x3e: {  	_ =	shalt  }
0x3f: {  	_ =	shalt  }
0x40: {  	_ =	shalt  }
0x41: {  	_ =	shalt  }
0x42: {  	_ =	shalt  }
0x43: {  	_ =	shalt  }
0x44: {  	_ =	shalt  }
0x45: {  	_ =	shalt  }
0x46: {  	_ =	shalt  }
0x47: {  	_ =	shalt  }
0x48: {  	_ =	shalt  }
0x49: {  	_ =	shalt  }
0x4a: {  	_ =	shalt  }
0x4b: {  	_ =	shalt  }
0x4c: {  	_ =	shalt  }
0x4d: {  	_ =	shalt  }
0x4e: {  	_ =	shalt  }
0x4f: {  	_ =	shalt  }
0x50: {  	_ =	shalt  }
0x51: {  	_ =	shalt  }
0x52: {  	_ =	shalt  }
0x53: {  	_ =	shalt  }
0x54: {  	_ =	shalt  }
0x55: {  	_ =	shalt  }
0x56: {  	_ =	shalt  }
0x57: {  	_ =	shalt  }
0x58: {  	_ =	shalt  }
0x59: {  	_ =	shalt  }
0x5a: {  	_ =	shalt  }
0x5b: {  	_ =	shalt  }
0x5c: {  	_ =	shalt  }
0x5d: {  	_ =	shalt  }
0x5e: {  	_ =	shalt  }
0x5f: {  	_ =	shalt  }
0x60: {  	_ =	shalt  }
0x61: {  	_ =	shalt  }
0x62: {  	_ =	shalt  }
0x63: {  	_ =	shalt  }
0x64: {  	_ =	shalt  }
0x65: {  	_ =	shalt  }
0x66: {  	_ =	shalt  }
0x67: {  	_ =	shalt  }
0x68: {  	_ =	shalt  }
0x69: {  	_ =	shalt  }
0x6a: {  	_ =	shalt  }
0x6b: {  	_ =	shalt  }
0x6c: {  	_ =	shalt  }
0x6d: {  	_ =	shalt  }
0x6e: {  	_ =	shalt  }
0x6f: {  	_ =	shalt  }
0x70: {  	_ =	shalt  }
0x71: {  	_ =	shalt  }
0x72: {  	_ =	shalt  }
0x73: {  	_ =	shalt  }
0x74: {  	_ =	shalt  }
0x75: {  	_ =	shalt  }
0x76: {  	_ =	shalt  }
0x77: {  	_ =	shalt  }
0x78: {  	_ =	shalt  }
0x79: {  	_ =	shalt  }
0x7a: {  	_ =	shalt  }
0x7b: {  	_ =	shalt  }
0x7c: {  	_ =	shalt  }
0x7d: {  	_ =	shalt  }
0x7e: {  	_ =	shalt  }
0x7f: {  	_ =	shalt  }
0x80: {  	_ =	shalt  }
0x81: {  	_ =	shalt  }
0x82: {  	_ =	shalt  }
0x83: {  	_ =	shalt  }
0x84: {  	_ =	shalt  }
0x85: {  	_ =	shalt  }
0x86: {  	_ =	shalt  }
0x87: {  	_ =	shalt  }
.Lfunc_end0:
.L_simem_size_0:
called_computation.1_lowered:
.L_overlay_start_0:
0x88: {  	s2 =	sld [smem:$0x3FD9]  }
0x89: {  	s3 =	sld [smem:$0x3FFE];
	_ =	sdelay $0x1  }
0x8a: {  	s1 =	srdreg.scid  }
0x8b: {  	s0 =	sand.u32 $0x1, s1  }
0x8c: {  	s16 =	sshll.u32 s0, $0xA;
	s2 =	sadd.s32 s3, s2  }
0x8d: {  	s2 =	sadd.s32 s2, s16  }
0x8e: {  	[smem:$0x3FBF] =	sst s2  }
0x8f: {  	_ = 	snop  }
0x90: {  	(tm) =	ssettm $0x1  }
0x91: {  	s17 =	sld [smem:$0x3FFB];
	_ =	sdelay $0x3  }
0x92: {  	_ =	strace s17  }
0x93: {  	s2 =	sld [smem:$0x3FFC];
	_ =	sdelay $0x3  }
0x94: {  	_ =	strace s2  }
0x95: {  	s2 =	sld [smem:$0x3FFD];
	_ =	sdelay $0x3  }
0x96: {  	_ =	strace s2  }
0x97: {  	_ =	strace $0x8FFFFFFF  }
0x98: {  	s18 =	sld [smem:$0x3FDB];
	_ =	sdelay $0x1  }
0x99: {  	s19 =	simm.s32 $_scs_section_size  }
0x9a: {  	s4 =	simm.s32 $_size__tile_overlayer_lowered;
	s5 =	simm.s32 $_tile_overlayer_lowered  }
0x9b: {  	s22 =	simm.s32 $0x1BFF;
	s21 =	sshll.u32 s5, $0x1;
	s2 =	sadd.s32 s19, s18  }
0x9c: {  	s6 =	simm.s32 $0x0;
	s20 =	sshll.u32 s4, $0x1;
	s4 =	sadd.s32 s21, s2  }
0x9d: {  	[timem:s6], [sflag:s22] =	dma.local [hbm:s4], s20  }
0x9e: {  	_ =	swait.ge [sflag:s22], s20  }
0x9f: {  	s3 =	ssub.s32 $0x0, s20;
	[sflag:s22] =	ssyncset.done $0x0  }
0xa0: {  	[sflag:s22] =	ssyncadd.s32 s3;
	_ =	sdelay $0x1  }
0xa1: {  	s23 =	simm.s32 $0x1B8B  }
0xa2: {  	_ =	swait.ge [sflag:s23], $0x1  }
0xa3: {  	[sflag:s23] =	ssyncset.done $0x0  }
0xa4: {  	s25 =	simm.s32 $0x1B8E;
	s24 =	sld [smem:$0x3FFE];
	[sflag:s23] =	ssyncadd.s32 $0xFFFFFFFF  }
0xa5: {  	s26 =	simm.s32 $execute0_lowered;
	[smem:$0x3FD2] =	sst s25  }
0xa6: {  	s4 =	sshll.u32 s26, $0x1;
	_ =	strace $0x80000049;
	[dreg:$0x1] =	wrdreg $0xFFFFFFFF  }
0xa7: {  	s28 =	simm.s32 $_size_execute0_lowered;
	s2 =	sadd.s32 s2, s4;
	[dreg:$0x0] =	wrdreg $0x0  }
0xa8: {  	s4 =	sshll.u32 s28, $0x1;
	[dreg:$0x2] =	wrdreg s2  }
0xa9: {  	[dreg:$0x3] =	wrdreg s4  }
0xaa: {  	[dreg:$0x4] =	wrdreg $0xC0  }
0xab: {  	_ =	task [dreg:s6], $0x5FFFF  }
0xac: {  	[dreg:$0x1] =	wrdreg $0xFFFFFFFF  }
0xad: {  	[dreg:$0x0] =	wrdreg $0x60  }
0xae: {  	[dreg:$0x2] =	wrdreg s24  }
0xaf: {  	[dreg:$0x3] =	wrdreg $0x0  }
0xb0: {  	[dreg:$0x4] =	wrdreg $0x9  }
0xb1: {  	_ =	task.clear_ibuf [dreg:s6], $0x5FFFF;
	_ =	strace $0x90000049  }
0xb2: {  	s29 =	simm.s32 $0x9;
	_ =	strace $0x8000004B  }
0xb3: {  	_ =	swait.ge [sflag:s29], $0x1  }
0xb4: {  	[sflag:s29] =	ssyncadd.s32 $0xFFFFFFFF  }
0xb5: {  	_ =	strace $0x9000004B  }
0xb6: {  	_ =	sfence  }
0xb7: {  	s30 =	sld [smem:$0x0];
	_ =	sdelay $0x2  }
0xb8: {  	s31 =	sshll.u32 s1, $0xD;
	s1 =	sshrl.u32 s1, $0x2  }
0xb9: {  	s3 =	sand.u32 $0x4000, s31;
	s1 =	sadd.s32 s1, s30  }
0xba: {  	s0 =	sor.u32 s3, s0;
	s1 =	sshll.u32 s1, $0x11  }
0xbb: {  	s0 =	sor.u32 s1, s0  }
0xbc: {  	s0 =	sadd.s32 $0x8F2B, s0  }
0xbd: {  	[sflag:s0] =	ssyncadd.remote.s32 $0x1  }
0xbe: {  	_ =	sfence.sel $0xFFFF  }
0xbf: {  	[dreg:$0x0] =	wrdreg $0xFFFFFFFF;
	(pc) =	sbr.abs _section_cstart, $3  }
0xc0: {  	[dreg:$0x1] =	wrdreg $0xFFFFFFFF  }
0xc1: {  	_ =	task.clear_ibuf [dreg:s6], $0x2FFFF;
	_ =	strace $0x9FFFFFFF  }
0xc2: {  	(tm) =	ssettm $0x7FFFFFFF  }
0xc3: {  	_ =	shalt  }
tec
execute0_lowered:
.L_overlay_start_1:
0x0: {  	(tag) =	ssettag $0x1  }
0x1: {  	s12 =	rddreg [dreg:$0x0]  }
0x2: {  	s6 =	rddreg [dreg:$0x1]  }
0x3: {  	s0 =	rddreg [dreg:$0x2]  }
0x4: {  	s2 =	srdreg.scid;
	s1 =	simm.s32 $0x0;
	s7 =	stileid.u32  }
0x5: {  	s5 =	simm.s32 $0x1;
	s13 =	sand.u32 $0x1, s2;
	s14 =	smul.u32 $0x9C00, s7  }
0x6: {  	[smem:$0x7FF] =	sst s1;
	s3 =	sshll.u32 s7, $0x6;
	s2 =	sshll.u32 s13, $0x4  }
0x7: {  	_ =	strace $0x8000004A;
	s3 =	sor.u32 $0x1C01, s3;
	s4 =	sadd.s32 s14, s6  }
0x8: {  	s8 =	sor.u32 s7, s2;
	s2 =	sadd.s32 $0x15A00, s12;
	s4 =	sshrl.u32 s4, $0x3  }
0x9: {  	[spmem:s4], [sflag:s3] =	dma.local [hbm:s2], $0x1380  }
0xa: {  	p0 =	sne.s32 s7, $0x0;
	_ =	swait.ge [sflag:s5], $0x1380  }
0xb: {  	s6 =	sadd.s32 $0x9C000, s6;
	s8 =	smul.u32 $0x500, s8;
	[sflag:s5] =	ssyncset.done $0x0  }
0xc: {  	s7 =	sshrl.u32 @!p0 s6, $0x3;
	s6 =	simm.s32 @!p0 $0x1;
	[sflag:s5] =	ssyncadd.s32 $0xFFFFEC80  }
0xd: {  	[spmem:s7], [sflag:s3] =	dma.local @!p0 [hbm:s2], $0x80  }
0xe: {  	_ =	swait.ge @!p0 [sflag:s6], $0x80  }
0xf: {  	s10 =	sadd.s32 s8, s12;
	[sflag:s6] =	ssyncset.done @!p0 $0x0  }
0x10: {  	s9 =	simm.s32 $0x9C40;
	s8 =	sadd.s32 $0xBA00, s10;
	[sflag:s6] =	ssyncadd.s32 @!p0 $0xFFFFFF80  }
0x11: {  	[tilespmem:s9], [sflag:$0x1] =	stream.linear.gather [hbm4b:s8+s1], $0x2800, $0x38;
	[tilespmem:$0xEC40] =	vst v63  }
0x12: {  	_ =	swait.ge [sflag:s5], $0x2800  }
0x13: {  	[sflag:s5] =	ssyncset.done $0x0  }
0x14: {  	s11 =	simm.s32 $0xC440;
	s10 =	sadd.s32 $0x1A00, s10;
	[sflag:s5] =	ssyncadd.s32 $0xFFFFD800  }
0x15: {  	[tilespmem:s11], [sflag:$0x1] =	stream.linear.gather [hbm4b:s10+s1], $0x2800, $0x38;
	[tilespmem:$0xEC40] =	vst v63  }
0x16: {  	s15 =	smul.u32 $0x13880, s13;
	s13 =	ssub.s32 $0x2, s13;
	_ =	swait.ge [sflag:s5], $0x2800  }
0x17: {  	s30 =	sshrl.u32 s14, $0x3;
	s31 =	sshrl.u32 s13, $0x1;
	[sflag:s5] =	ssyncset.done $0x0  }
0x18: {  	s13 =	ssub.s32 s13, s31;
	s12 =	sadd.s32 s15, s12;
	[sflag:s5] =	ssyncadd.s32 $0xFFFFD800  }
0x19: {  	s14 =	smax.u32 s13, $0x1;
	s15 =	sadd.s32 $0x16E00, s12;
	[bflag:$0x0] =	sbarrier.arrive $0xFFFF  }
0x1a: {  	s14 =	sadd.s32 $0xFFFFFFFF, s14;
	s12 =	sadd.s32 s30, s15;
	[bflag:$0x0] =	sbarrier.arrive $0xFFFF  }
0x1b: {  	[hbm:s12], [sflag:s3] =	dma.local [spmem:s4], $0x1380  }
0x1c: {  	p1 =	sne.s32 s14, $0x0;
	_ =	swait.ge [sflag:s5], $0x1380  }
.Ltmp0:
0x1d: {  	[sflag:s5] =	ssyncset.done $0x0;
	(pc) =	sbr.rel @!p1 .LBB2_2-.Ltmp0, $4  }
0x1e: {  	s13 =	sadd.s32 @!p0 $0x13800, s15;
	[sflag:s5] =	ssyncadd.s32 $0xFFFFEC80  }
0x1f: {  	[hbm:s13], [sflag:s3] =	dma.local @!p0 [spmem:s7], $0x80  }
0x20: {  	_ =	swait.ge @!p0 [sflag:s6], $0x80  }
0x21: {  	[sflag:s6] =	ssyncset.done @!p0 $0x0  }
.LBB2_1:
0x22: {  	s14 =	sadd.s32 $0xFFFFFFFF, s14;
	[sflag:s6] =	ssyncadd.s32 @!p0 $0xFFFFFF80  }
0x23: {  	[spmem:s4], [sflag:s3] =	dma.local [hbm:s2], $0x1380  }
0x24: {  	p1 =	sne.s32 s14, $0x0;
	_ =	swait.ge [sflag:s5], $0x1380  }
0x25: {  	[sflag:s5] =	ssyncset.done $0x0  }
0x26: {  	[sflag:s5] =	ssyncadd.s32 $0xFFFFEC80  }
0x27: {  	[spmem:s7], [sflag:s3] =	dma.local @!p0 [hbm:s2], $0x80  }
0x28: {  	_ =	swait.ge @!p0 [sflag:s6], $0x80  }
0x29: {  	[sflag:s6] =	ssyncset.done @!p0 $0x0  }
0x2a: {  	[sflag:s6] =	ssyncadd.s32 @!p0 $0xFFFFFF80  }
0x2b: {  	[tilespmem:s9], [sflag:$0x1] =	stream.linear.gather [hbm4b:s8+s1], $0x2800, $0x38;
	[tilespmem:$0xEC40] =	vst v63  }
0x2c: {  	_ =	swait.ge [sflag:s5], $0x2800  }
0x2d: {  	[sflag:s5] =	ssyncset.done $0x0  }
0x2e: {  	[sflag:s5] =	ssyncadd.s32 $0xFFFFD800  }
0x2f: {  	[tilespmem:s11], [sflag:$0x1] =	stream.linear.gather [hbm4b:s10+s1], $0x2800, $0x38;
	[tilespmem:$0xEC40] =	vst v63  }
0x30: {  	_ =	swait.ge [sflag:s5], $0x2800  }
0x31: {  	[sflag:s5] =	ssyncset.done $0x0  }
0x32: {  	[sflag:s5] =	ssyncadd.s32 $0xFFFFD800  }
0x33: {  	[bflag:$0x0] =	sbarrier.arrive $0xFFFF  }
0x34: {  	[bflag:$0x0] =	sbarrier.arrive $0xFFFF  }
0x35: {  	[hbm:s12], [sflag:s3] =	dma.local [spmem:s4], $0x1380  }
0x36: {  	_ =	swait.ge [sflag:s5], $0x1380  }
.Ltmp1:
0x37: {  	[sflag:s5] =	ssyncset.done $0x0;
	(pc) =	sbr.rel @p1 .LBB2_1-.Ltmp1, $4  }
0x38: {  	[sflag:s5] =	ssyncadd.s32 $0xFFFFEC80  }
0x39: {  	[hbm:s13], [sflag:s3] =	dma.local @!p0 [spmem:s7], $0x80  }
0x3a: {  	_ =	swait.ge @!p0 [sflag:s6], $0x80  }
0x3b: {  	[sflag:s6] =	ssyncset.done @!p0 $0x0  }
.LBB2_2:
0x3c: {  	[sflag:s6] =	ssyncadd.s32 @!p0 $0xFFFFFF80  }
0x3d: {  	_ =	sfence.sel $0x180000  }
0x3e: {  	[bflag:$0x0] =	sbarrier.arrive $0xFFFF  }
0x3f: {  	_ =	strace $0x9000004A  }
0x40: {  	s0 =	sadd.s32 @!p0 $0x100000, s0;
	[bflag:$0x2] =	sbarrier.arrive $0xFFFF  }
0x41: {  	[sflag:s0] =	ssyncadd.tile.s32 @!p0 $0x1;
	_ =	shalt  }
.Lfunc_end2:
_tile_overlayer_lowered:
.L_overlay_start_2:
0x42: {  	(tag) =	ssettag $0x2  }
0x43: {  	s0 =	rddreg [dreg:$0x0];
	s2 =	stileid.u32  }
0x44: {  	s1 =	rddreg [dreg:$0x1];
	p0 =	sne.s32 s2, $0x0  }
0x45: {  	s3 =	rddreg [dreg:$0x2];
	[bflag:$0x3] =	sbarrier.arrive $0xFFFF;
	s2 =	simm.s32 @!p0 $0x1C01  }
0x46: {  	[timem:s3], [sflag:s2] =	dma.local @!p0 [hbm:s0], s1  }
0x47: {  	s0 =	simm.s32 @!p0 $0x1  }
0x48: {  	_ =	swait.ge @!p0 [sflag:s0], s1  }
0x49: {  	s1 =	ssub.s32 @!p0 $0x0, s1;
	[sflag:s0] =	ssyncset.done @!p0 $0x0  }
0x4a: {  	[sflag:s0] =	ssyncadd.s32 @!p0 s1  }
0x4b: {  	[bflag:$0x3] =	sbarrier.arrive $0xFFFF  }
0x4c: {  	_ =	shalt  }

// kernel: kernel.15.cloned.1.call-start
scs
__scs_entry_jumppad:
0x0: {  	(pc) =	sbr.rel $0x88, $3  }
0x1: {  	(tag) =	ssettag $0x0;
	lr =	simm.s32 $0x1  }
0x2: {  	[smem:$0x3F98] =	sst lr;
	_ =	strace $0xD0000000  }
0x3: {  	_ = 	snop  }
0x4: {  	_ = 	snop  }
0x5: {  	_ = 	snop  }
0x6: {  	_ = 	snop  }
0x7: {  	_ = 	snop  }
__scs_overlays_trampoline_lowered:
0x8: {  	[smem:$0x3FA7] =	sst s0  }
0x9: {  	[smem:$0x3FA8] =	sst s1  }
0xa: {  	[smem:$0x3FA9] =	sst s2  }
0xb: {  	[smem:$0x3FAA] =	sst s3  }
0xc: {  	[smem:$0x3FAB] =	sst s4  }
0xd: {  	[smem:$0x3FAC] =	sst s5  }
0xe: {  	[smem:$0x3FAD] =	sst s6  }
0xf: {  	[smem:$0x3FAE] =	sst s7  }
0x10: {  	[smem:$0x3FAF] =	sst s8  }
0x11: {  	[smem:$0x3FB0] =	sst s9;
	s0 =	simm.s32 @!p0 $0x0  }
0x12: {  	s1 =	sld [smem:$0x3F96];
	s0 =	simm.s32 @p0 $0x1  }
0x13: {  	[smem:$0x3FB1] =	sst s0;
	s0 =	simm.s32 @!p1 $0x0  }
0x14: {  	s2 =	sld [smem:$0x3F95];
	s0 =	simm.s32 @p1 $0x1  }
0x15: {  	[smem:$0x3FB2] =	sst s0;
	s0 =	simm.s32 @!p2 $0x0  }
0x16: {  	s3 =	sld [smem:$0x3FDB];
	s0 =	simm.s32 @p2 $0x1  }
0x17: {  	s4 =	simm.s32 $0x1BF5;
	[smem:$0x3FB4] =	sst s0  }
0x18: {  	s0 =	sld [smem:$0x3F97];
	_ =	swait.ge [sflag:s4], $0x0  }
0x19: {  	s7 =	sld [smem:$0x3F98]  }
0x1a: {  	s8 =	sadd.s32 $0xFFFFE003, lr  }
0x1b: {  	s9 =	sadd.s32 $0xFFFFFEF7, lr;
	s5 =	simm.s32 $0xFFFFFFFF;
	p2 =	slt.u32 s8, $0xFFFFF086  }
0x1c: {  	p1 =	slt.u32 s9, $0xF7A;
	s5 =	simm.s32 @!p2 $0x0  }
0x1d: {  	s5 =	simm.s32 @p1 $0x1;
	p0 =	seq.s32 s7, s2  }
0x1e: {  	s7 =	smul.u32 @!p0 $0xF7A, s2;
	p2 =	seq.s32 @!p0 s5, $0x0  }
0x1f: {  	s9 =	smul.u32 $0xF7A, s1;
	s8 =	simm.s32 @!p0 $0x1BF5;
	p2 =	por !p2, p0  }
0x20: {  	[sflag:s8] =	ssyncset.s32 @!p0 $0xFFFFF086;
	s6 =	sadd.s32 @!p0 s3, s7;
	s7 =	simm.s32 @!p0 $0x108  }
0x21: {  	s3 =	sadd.s32 s3, s9;
	s6 =	sadd.s32 @!p0 $0x88, s6;
	s7 =	simm.s32 @p2 $0x1082  }
0x22: {  	[simem:s7], [sflag:s8] =	dma.local @!p0 [hbm:s6], $0xF7A  }
0x23: {  	s9 =	sor.u32 $0xD0000000, s2;
	s6 =	simm.s32 $0x108;
	_ =	swait.ge @!p0 [sflag:s8], $0x0  }
0x24: {  	s3 =	sadd.s32 $0x88, s3;
	s6 =	simm.s32 @!p1 $0x1082;
	[sflag:s4] =	ssyncset.s32 $0xFFFFF086  }
0x25: {  	[simem:s6], [sflag:s4] =	dma.local [hbm:s3], $0xF7A  }
0x26: {  	[smem:$0x3F98] =	sst s1;
	(tag) =	ssettag s2;
	_ =	strace s9  }
0x27: {  	s1 =	sld [smem:$0x3FA8]  }
0x28: {  	s2 =	sld [smem:$0x3FA9]  }
0x29: {  	s4 =	sld [smem:$0x3FAB]  }
0x2a: {  	p0 =	seq.s32 s5, $0x0;
	s5 =	sld [smem:$0x3FAC]  }
0x2b: {  	s6 =	sld [smem:$0x3FAD]  }
0x2c: {  	s7 =	sld [smem:$0x3FAE]  }
0x2d: {  	s3 =	simm.s32 $0x108;
	s8 =	sld [smem:$0x3FAF]  }
0x2e: {  	s3 =	simm.s32 @!p0 $0x1082;
	s9 =	sld [smem:$0x3FB0]  }
0x2f: {  	lr =	sadd.s32 s0, s3;
	s0 =	sld [smem:$0x3FA7]  }
0x30: {  	s3 =	sld [smem:$0x3FAA]  }
0x31: {  	[smem:$0x3FB3] =	sst s10  }
0x32: {  	s10 =	sld [smem:$0x3FB1];
	_ =	sdelay $0x3  }
0x33: {  	p0 =	seq.s32 s10, $0x1;
	s10 =	sld [smem:$0x3FB3];
	_ =	sdelay $0x3  }
0x34: {  	[smem:$0x3FB3] =	sst s10  }
0x35: {  	s10 =	sld [smem:$0x3FB2];
	_ =	sdelay $0x3  }
0x36: {  	p1 =	seq.s32 s10, $0x1;
	s10 =	sld [smem:$0x3FB3];
	_ =	sdelay $0x3  }
0x37: {  	[smem:$0x3FB3] =	sst s10  }
0x38: {  	s10 =	sld [smem:$0x3FB4]  }
0x39: {  	_ = 	snop;
	(pc) =	sbr.ind lr, $3  }
0x3a: {  	_ = 	snop  }
0x3b: {  	_ = 	snop  }
0x3c: {  	p2 =	seq.s32 s10, $0x1;
	s10 =	sld [smem:$0x3FB3]  }
0x3d: {  	_ =	shalt  }
0x3e: {  	_ =	shalt  }
0x3f: {  	_ =	shalt  }
0x40: {  	_ =	shalt  }
0x41: {  	_ =	shalt  }
0x42: {  	_ =	shalt  }
0x43: {  	_ =	shalt  }
0x44: {  	_ =	shalt  }
0x45: {  	_ =	shalt  }
0x46: {  	_ =	shalt  }
0x47: {  	_ =	shalt  }
0x48: {  	_ =	shalt  }
0x49: {  	_ =	shalt  }
0x4a: {  	_ =	shalt  }
0x4b: {  	_ =	shalt  }
0x4c: {  	_ =	shalt  }
0x4d: {  	_ =	shalt  }
0x4e: {  	_ =	shalt  }
0x4f: {  	_ =	shalt  }
0x50: {  	_ =	shalt  }
0x51: {  	_ =	shalt  }
0x52: {  	_ =	shalt  }
0x53: {  	_ =	shalt  }
0x54: {  	_ =	shalt  }
0x55: {  	_ =	shalt  }
0x56: {  	_ =	shalt  }
0x57: {  	_ =	shalt  }
0x58: {  	_ =	shalt  }
0x59: {  	_ =	shalt  }
0x5a: {  	_ =	shalt  }
0x5b: {  	_ =	shalt  }
0x5c: {  	_ =	shalt  }
0x5d: {  	_ =	shalt  }
0x5e: {  	_ =	shalt  }
0x5f: {  	_ =	shalt  }
0x60: {  	_ =	shalt  }
0x61: {  	_ =	shalt  }
0x62: {  	_ =	shalt  }
0x63: {  	_ =	shalt  }
0x64: {  	_ =	shalt  }
0x65: {  	_ =	shalt  }
0x66: {  	_ =	shalt  }
0x67: {  	_ =	shalt  }
0x68: {  	_ =	shalt  }
0x69: {  	_ =	shalt  }
0x6a: {  	_ =	shalt  }
0x6b: {  	_ =	shalt  }
0x6c: {  	_ =	shalt  }
0x6d: {  	_ =	shalt  }
0x6e: {  	_ =	shalt  }
0x6f: {  	_ =	shalt  }
0x70: {  	_ =	shalt  }
0x71: {  	_ =	shalt  }
0x72: {  	_ =	shalt  }
0x73: {  	_ =	shalt  }
0x74: {  	_ =	shalt  }
0x75: {  	_ =	shalt  }
0x76: {  	_ =	shalt  }
0x77: {  	_ =	shalt  }
0x78: {  	_ =	shalt  }
0x79: {  	_ =	shalt  }
0x7a: {  	_ =	shalt  }
0x7b: {  	_ =	shalt  }
0x7c: {  	_ =	shalt  }
0x7d: {  	_ =	shalt  }
0x7e: {  	_ =	shalt  }
0x7f: {  	_ =	shalt  }
0x80: {  	_ =	shalt  }
0x81: {  	_ =	shalt  }
0x82: {  	_ =	shalt  }
0x83: {  	_ =	shalt  }
0x84: {  	_ =	shalt  }
0x85: {  	_ =	shalt  }
0x86: {  	_ =	shalt  }
0x87: {  	_ =	shalt  }
.Lfunc_end0:
.L_simem_size_0:
called_computation.2_lowered:
.L_overlay_start_0:
0x88: {  	s2 =	sld [smem:$0x3FD9]  }
0x89: {  	s3 =	sld [smem:$0x3FFE];
	_ =	sdelay $0x1  }
0x8a: {  	s1 =	srdreg.scid  }
0x8b: {  	s0 =	sand.u32 $0x1, s1  }
0x8c: {  	s16 =	sshll.u32 s0, $0xA;
	s2 =	sadd.s32 s3, s2  }
0x8d: {  	s2 =	sadd.s32 s2, s16  }
0x8e: {  	[smem:$0x3FBF] =	sst s2  }
0x8f: {  	_ = 	snop  }
0x90: {  	(tm) =	ssettm $0x1  }
0x91: {  	s17 =	sld [smem:$0x3FFB];
	_ =	sdelay $0x3  }
0x92: {  	_ =	strace s17  }
0x93: {  	s2 =	sld [smem:$0x3FFC];
	_ =	sdelay $0x3  }
0x94: {  	_ =	strace s2  }
0x95: {  	s2 =	sld [smem:$0x3FFD];
	_ =	sdelay $0x3  }
0x96: {  	_ =	strace s2  }
0x97: {  	_ =	strace $0x8FFFFFFF  }
0x98: {  	s18 =	sld [smem:$0x3FDB];
	_ =	sdelay $0x1  }
0x99: {  	s19 =	simm.s32 $_scs_section_size  }
0x9a: {  	s4 =	simm.s32 $_size__tile_overlayer_lowered;
	s5 =	simm.s32 $_tile_overlayer_lowered  }
0x9b: {  	s22 =	simm.s32 $0x1BFF;
	s21 =	sshll.u32 s5, $0x1;
	s2 =	sadd.s32 s19, s18  }
0x9c: {  	s6 =	simm.s32 $0x0;
	s20 =	sshll.u32 s4, $0x1;
	s4 =	sadd.s32 s21, s2  }
0x9d: {  	[timem:s6], [sflag:s22] =	dma.local [hbm:s4], s20  }
0x9e: {  	_ =	swait.ge [sflag:s22], s20  }
0x9f: {  	s3 =	ssub.s32 $0x0, s20;
	[sflag:s22] =	ssyncset.done $0x0  }
0xa0: {  	[sflag:s22] =	ssyncadd.s32 s3;
	_ =	sdelay $0x1  }
0xa1: {  	s23 =	simm.s32 $0x1B8B  }
0xa2: {  	_ =	swait.ge [sflag:s23], $0x1  }
0xa3: {  	[sflag:s23] =	ssyncset.done $0x0  }
0xa4: {  	s25 =	simm.s32 $0x1B8E;
	s24 =	sld [smem:$0x3FFE];
	[sflag:s23] =	ssyncadd.s32 $0xFFFFFFFF  }
0xa5: {  	s26 =	simm.s32 $execute0_lowered;
	[smem:$0x3FD2] =	sst s25  }
0xa6: {  	s4 =	sshll.u32 s26, $0x1;
	_ =	strace $0x8000004C;
	[dreg:$0x1] =	wrdreg $0xFFFFFFFF  }
0xa7: {  	s28 =	simm.s32 $_size_execute0_lowered;
	s2 =	sadd.s32 s2, s4;
	[dreg:$0x0] =	wrdreg $0x0  }
0xa8: {  	s4 =	sshll.u32 s28, $0x1;
	[dreg:$0x2] =	wrdreg s2  }
0xa9: {  	[dreg:$0x3] =	wrdreg s4  }
0xaa: {  	[dreg:$0x4] =	wrdreg $0xC0  }
0xab: {  	_ =	task [dreg:s6], $0x5FFFF  }
0xac: {  	[dreg:$0x1] =	wrdreg $0xFFFFFFFF  }
0xad: {  	[dreg:$0x0] =	wrdreg $0x60  }
0xae: {  	[dreg:$0x2] =	wrdreg s24  }
0xaf: {  	[dreg:$0x3] =	wrdreg $0x0  }
0xb0: {  	[dreg:$0x4] =	wrdreg $0x9  }
0xb1: {  	_ =	task.clear_ibuf [dreg:s6], $0x5FFFF;
	_ =	strace $0x9000004C  }
0xb2: {  	s29 =	simm.s32 $0x9;
	_ =	strace $0x8000004E  }
0xb3: {  	_ =	swait.ge [sflag:s29], $0x1  }
0xb4: {  	[sflag:s29] =	ssyncadd.s32 $0xFFFFFFFF  }
0xb5: {  	_ =	strace $0x9000004E  }
0xb6: {  	_ =	sfence  }
0xb7: {  	s30 =	sld [smem:$0x0];
	_ =	sdelay $0x2  }
0xb8: {  	s31 =	sshll.u32 s1, $0xD;
	s1 =	sshrl.u32 s1, $0x2  }
0xb9: {  	s3 =	sand.u32 $0x4000, s31;
	s1 =	sadd.s32 s1, s30  }
0xba: {  	s0 =	sor.u32 s3, s0;
	s1 =	sshll.u32 s1, $0x11  }
0xbb: {  	s0 =	sor.u32 s1, s0  }
0xbc: {  	s0 =	sadd.s32 $0x8F2B, s0  }
0xbd: {  	[sflag:s0] =	ssyncadd.remote.s32 $0x1  }
0xbe: {  	_ =	sfence.sel $0xFFFF  }
0xbf: {  	[dreg:$0x0] =	wrdreg $0xFFFFFFFF;
	(pc) =	sbr.abs _section_cstart, $3  }
0xc0: {  	[dreg:$0x1] =	wrdreg $0xFFFFFFFF  }
0xc1: {  	_ =	task.clear_ibuf [dreg:s6], $0x2FFFF;
	_ =	strace $0x9FFFFFFF  }
0xc2: {  	(tm) =	ssettm $0x7FFFFFFF  }
0xc3: {  	_ =	shalt  }
tec
execute0_lowered:
.L_overlay_start_1:
0x0: {  	(tag) =	ssettag $0x1  }
0x1: {  	s12 =	rddreg [dreg:$0x0]  }
0x2: {  	s6 =	rddreg [dreg:$0x1]  }
0x3: {  	s0 =	rddreg [dreg:$0x2]  }
0x4: {  	s2 =	srdreg.scid;
	s1 =	simm.s32 $0x0;
	s7 =	stileid.u32  }
0x5: {  	s5 =	simm.s32 $0x1;
	s13 =	sand.u32 $0x1, s2;
	s14 =	smul.u32 $0x9C00, s7  }
0x6: {  	[smem:$0x7FF] =	sst s1;
	s3 =	sshll.u32 s7, $0x6;
	s2 =	sshll.u32 s13, $0x4  }
0x7: {  	_ =	strace $0x8000004D;
	s3 =	sor.u32 $0x1C01, s3;
	s4 =	sadd.s32 s14, s6  }
0x8: {  	s8 =	sor.u32 s7, s2;
	s2 =	sadd.s32 $0x15A00, s12;
	s4 =	sshrl.u32 s4, $0x3  }
0x9: {  	[spmem:s4], [sflag:s3] =	dma.local [hbm:s2], $0x1380  }
0xa: {  	p0 =	sne.s32 s7, $0x0;
	_ =	swait.ge [sflag:s5], $0x1380  }
0xb: {  	s6 =	sadd.s32 $0x9C000, s6;
	s8 =	smul.u32 $0x500, s8;
	[sflag:s5] =	ssyncset.done $0x0  }
0xc: {  	s7 =	sshrl.u32 @!p0 s6, $0x3;
	s6 =	simm.s32 @!p0 $0x1;
	[sflag:s5] =	ssyncadd.s32 $0xFFFFEC80  }
0xd: {  	[spmem:s7], [sflag:s3] =	dma.local @!p0 [hbm:s2], $0x80  }
0xe: {  	_ =	swait.ge @!p0 [sflag:s6], $0x80  }
0xf: {  	s10 =	sadd.s32 s8, s12;
	[sflag:s6] =	ssyncset.done @!p0 $0x0  }
0x10: {  	s9 =	simm.s32 $0x9C40;
	s8 =	sadd.s32 $0xBA00, s10;
	[sflag:s6] =	ssyncadd.s32 @!p0 $0xFFFFFF80  }
0x11: {  	[tilespmem:s9], [sflag:$0x1] =	stream.linear.gather [hbm4b:s8+s1], $0x2800, $0x38;
	[tilespmem:$0xEC40] =	vst v63  }
0x12: {  	_ =	swait.ge [sflag:s5], $0x2800  }
0x13: {  	[sflag:s5] =	ssyncset.done $0x0  }
0x14: {  	s11 =	simm.s32 $0xC440;
	s10 =	sadd.s32 $0x1A00, s10;
	[sflag:s5] =	ssyncadd.s32 $0xFFFFD800  }
0x15: {  	[tilespmem:s11], [sflag:$0x1] =	stream.linear.gather [hbm4b:s10+s1], $0x2800, $0x38;
	[tilespmem:$0xEC40] =	vst v63  }
0x16: {  	s15 =	smul.u32 $0x13880, s13;
	s13 =	ssub.s32 $0x2, s13;
	_ =	swait.ge [sflag:s5], $0x2800  }
0x17: {  	s30 =	sshrl.u32 s14, $0x3;
	s31 =	sshrl.u32 s13, $0x1;
	[sflag:s5] =	ssyncset.done $0x0  }
0x18: {  	s13 =	ssub.s32 s13, s31;
	s12 =	sadd.s32 s15, s12;
	[sflag:s5] =	ssyncadd.s32 $0xFFFFD800  }
0x19: {  	s14 =	smax.u32 s13, $0x1;
	s15 =	sadd.s32 $0x16E00, s12;
	[bflag:$0x0] =	sbarrier.arrive $0xFFFF  }
0x1a: {  	s14 =	sadd.s32 $0xFFFFFFFF, s14;
	s12 =	sadd.s32 s30, s15;
	[bflag:$0x0] =	sbarrier.arrive $0xFFFF  }
0x1b: {  	[hbm:s12], [sflag:s3] =	dma.local [spmem:s4], $0x1380  }
0x1c: {  	p1 =	sne.s32 s14, $0x0;
	_ =	swait.ge [sflag:s5], $0x1380  }
.Ltmp0:
0x1d: {  	[sflag:s5] =	ssyncset.done $0x0;
	(pc) =	sbr.rel @!p1 .LBB2_2-.Ltmp0, $4  }
0x1e: {  	s13 =	sadd.s32 @!p0 $0x13800, s15;
	[sflag:s5] =	ssyncadd.s32 $0xFFFFEC80  }
0x1f: {  	[hbm:s13], [sflag:s3] =	dma.local @!p0 [spmem:s7], $0x80  }
0x20: {  	_ =	swait.ge @!p0 [sflag:s6], $0x80  }
0x21: {  	[sflag:s6] =	ssyncset.done @!p0 $0x0  }
.LBB2_1:
0x22: {  	s14 =	sadd.s32 $0xFFFFFFFF, s14;
	[sflag:s6] =	ssyncadd.s32 @!p0 $0xFFFFFF80  }
0x23: {  	[spmem:s4], [sflag:s3] =	dma.local [hbm:s2], $0x1380  }
0x24: {  	p1 =	sne.s32 s14, $0x0;
	_ =	swait.ge [sflag:s5], $0x1380  }
0x25: {  	[sflag:s5] =	ssyncset.done $0x0  }
0x26: {  	[sflag:s5] =	ssyncadd.s32 $0xFFFFEC80  }
0x27: {  	[spmem:s7], [sflag:s3] =	dma.local @!p0 [hbm:s2], $0x80  }
0x28: {  	_ =	swait.ge @!p0 [sflag:s6], $0x80  }
0x29: {  	[sflag:s6] =	ssyncset.done @!p0 $0x0  }
0x2a: {  	[sflag:s6] =	ssyncadd.s32 @!p0 $0xFFFFFF80  }
0x2b: {  	[tilespmem:s9], [sflag:$0x1] =	stream.linear.gather [hbm4b:s8+s1], $0x2800, $0x38;
	[tilespmem:$0xEC40] =	vst v63  }
0x2c: {  	_ =	swait.ge [sflag:s5], $0x2800  }
0x2d: {  	[sflag:s5] =	ssyncset.done $0x0  }
0x2e: {  	[sflag:s5] =	ssyncadd.s32 $0xFFFFD800  }
0x2f: {  	[tilespmem:s11], [sflag:$0x1] =	stream.linear.gather [hbm4b:s10+s1], $0x2800, $0x38;
	[tilespmem:$0xEC40] =	vst v63  }
0x30: {  	_ =	swait.ge [sflag:s5], $0x2800  }
0x31: {  	[sflag:s5] =	ssyncset.done $0x0  }
0x32: {  	[sflag:s5] =	ssyncadd.s32 $0xFFFFD800  }
0x33: {  	[bflag:$0x0] =	sbarrier.arrive $0xFFFF  }
0x34: {  	[bflag:$0x0] =	sbarrier.arrive $0xFFFF  }
0x35: {  	[hbm:s12], [sflag:s3] =	dma.local [spmem:s4], $0x1380  }
0x36: {  	_ =	swait.ge [sflag:s5], $0x1380  }
.Ltmp1:
0x37: {  	[sflag:s5] =	ssyncset.done $0x0;
	(pc) =	sbr.rel @p1 .LBB2_1-.Ltmp1, $4  }
0x38: {  	[sflag:s5] =	ssyncadd.s32 $0xFFFFEC80  }
0x39: {  	[hbm:s13], [sflag:s3] =	dma.local @!p0 [spmem:s7], $0x80  }
0x3a: {  	_ =	swait.ge @!p0 [sflag:s6], $0x80  }
0x3b: {  	[sflag:s6] =	ssyncset.done @!p0 $0x0  }
.LBB2_2:
0x3c: {  	[sflag:s6] =	ssyncadd.s32 @!p0 $0xFFFFFF80  }
0x3d: {  	_ =	sfence.sel $0x180000  }
0x3e: {  	[bflag:$0x0] =	sbarrier.arrive $0xFFFF  }
0x3f: {  	_ =	strace $0x9000004D  }
0x40: {  	s0 =	sadd.s32 @!p0 $0x100000, s0;
	[bflag:$0x2] =	sbarrier.arrive $0xFFFF  }
0x41: {  	[sflag:s0] =	ssyncadd.tile.s32 @!p0 $0x1;
	_ =	shalt  }
.Lfunc_end2:
_tile_overlayer_lowered:
.L_overlay_start_2:
0x42: {  	(tag) =	ssettag $0x2  }
0x43: {  	s0 =	rddreg [dreg:$0x0];
	s2 =	stileid.u32  }
0x44: {  	s1 =	rddreg [dreg:$0x1];
	p0 =	sne.s32 s2, $0x0  }
0x45: {  	s3 =	rddreg [dreg:$0x2];
	[bflag:$0x3] =	sbarrier.arrive $0xFFFF;
	s2 =	simm.s32 @!p0 $0x1C01  }
0x46: {  	[timem:s3], [sflag:s2] =	dma.local @!p0 [hbm:s0], s1  }
0x47: {  	s0 =	simm.s32 @!p0 $0x1  }
0x48: {  	_ =	swait.ge @!p0 [sflag:s0], s1  }
0x49: {  	s1 =	ssub.s32 @!p0 $0x0, s1;
	[sflag:s0] =	ssyncset.done @!p0 $0x0  }
0x4a: {  	[sflag:s0] =	ssyncadd.s32 @!p0 s1  }
0x4b: {  	[bflag:$0x3] =	sbarrier.arrive $0xFFFF  }
0x4c: {  	_ =	shalt  }

// kernel: kernel.9.cloned.1.call-start
scs
__scs_entry_jumppad:
0x0: {  	(pc) =	sbr.rel $0x88, $3  }
0x1: {  	(tag) =	ssettag $0x0;
	lr =	simm.s32 $0x1  }
0x2: {  	[smem:$0x3F98] =	sst lr;
	_ =	strace $0xD0000000  }
0x3: {  	_ = 	snop  }
0x4: {  	_ = 	snop  }
0x5: {  	_ = 	snop  }
0x6: {  	_ = 	snop  }
0x7: {  	_ = 	snop  }
__scs_overlays_trampoline_lowered:
0x8: {  	[smem:$0x3FA7] =	sst s0  }
0x9: {  	[smem:$0x3FA8] =	sst s1  }
0xa: {  	[smem:$0x3FA9] =	sst s2  }
0xb: {  	[smem:$0x3FAA] =	sst s3  }
0xc: {  	[smem:$0x3FAB] =	sst s4  }
0xd: {  	[smem:$0x3FAC] =	sst s5  }
0xe: {  	[smem:$0x3FAD] =	sst s6  }
0xf: {  	[smem:$0x3FAE] =	sst s7  }
0x10: {  	[smem:$0x3FAF] =	sst s8  }
0x11: {  	[smem:$0x3FB0] =	sst s9;
	s0 =	simm.s32 @!p0 $0x0  }
0x12: {  	s1 =	sld [smem:$0x3F96];
	s0 =	simm.s32 @p0 $0x1  }
0x13: {  	[smem:$0x3FB1] =	sst s0;
	s0 =	simm.s32 @!p1 $0x0  }
0x14: {  	s2 =	sld [smem:$0x3F95];
	s0 =	simm.s32 @p1 $0x1  }
0x15: {  	[smem:$0x3FB2] =	sst s0;
	s0 =	simm.s32 @!p2 $0x0  }
0x16: {  	s3 =	sld [smem:$0x3FDB];
	s0 =	simm.s32 @p2 $0x1  }
0x17: {  	s4 =	simm.s32 $0x1BF5;
	[smem:$0x3FB4] =	sst s0  }
0x18: {  	s0 =	sld [smem:$0x3F97];
	_ =	swait.ge [sflag:s4], $0x0  }
0x19: {  	s7 =	sld [smem:$0x3F98]  }
0x1a: {  	s8 =	sadd.s32 $0xFFFFE003, lr  }
0x1b: {  	s9 =	sadd.s32 $0xFFFFFEF7, lr;
	s5 =	simm.s32 $0xFFFFFFFF;
	p2 =	slt.u32 s8, $0xFFFFF086  }
0x1c: {  	p1 =	slt.u32 s9, $0xF7A;
	s5 =	simm.s32 @!p2 $0x0  }
0x1d: {  	s5 =	simm.s32 @p1 $0x1;
	p0 =	seq.s32 s7, s2  }
0x1e: {  	s7 =	smul.u32 @!p0 $0xF7A, s2;
	p2 =	seq.s32 @!p0 s5, $0x0  }
0x1f: {  	s9 =	smul.u32 $0xF7A, s1;
	s8 =	simm.s32 @!p0 $0x1BF5;
	p2 =	por !p2, p0  }
0x20: {  	[sflag:s8] =	ssyncset.s32 @!p0 $0xFFFFF086;
	s6 =	sadd.s32 @!p0 s3, s7;
	s7 =	simm.s32 @!p0 $0x108  }
0x21: {  	s3 =	sadd.s32 s3, s9;
	s6 =	sadd.s32 @!p0 $0x88, s6;
	s7 =	simm.s32 @p2 $0x1082  }
0x22: {  	[simem:s7], [sflag:s8] =	dma.local @!p0 [hbm:s6], $0xF7A  }
0x23: {  	s9 =	sor.u32 $0xD0000000, s2;
	s6 =	simm.s32 $0x108;
	_ =	swait.ge @!p0 [sflag:s8], $0x0  }
0x24: {  	s3 =	sadd.s32 $0x88, s3;
	s6 =	simm.s32 @!p1 $0x1082;
	[sflag:s4] =	ssyncset.s32 $0xFFFFF086  }
0x25: {  	[simem:s6], [sflag:s4] =	dma.local [hbm:s3], $0xF7A  }
0x26: {  	[smem:$0x3F98] =	sst s1;
	(tag) =	ssettag s2;
	_ =	strace s9  }
0x27: {  	s1 =	sld [smem:$0x3FA8]  }
0x28: {  	s2 =	sld [smem:$0x3FA9]  }
0x29: {  	s4 =	sld [smem:$0x3FAB]  }
0x2a: {  	p0 =	seq.s32 s5, $0x0;
	s5 =	sld [smem:$0x3FAC]  }
0x2b: {  	s6 =	sld [smem:$0x3FAD]  }
0x2c: {  	s7 =	sld [smem:$0x3FAE]  }
0x2d: {  	s3 =	simm.s32 $0x108;
	s8 =	sld [smem:$0x3FAF]  }
0x2e: {  	s3 =	simm.s32 @!p0 $0x1082;
	s9 =	sld [smem:$0x3FB0]  }
0x2f: {  	lr =	sadd.s32 s0, s3;
	s0 =	sld [smem:$0x3FA7]  }
0x30: {  	s3 =	sld [smem:$0x3FAA]  }
0x31: {  	[smem:$0x3FB3] =	sst s10  }
0x32: {  	s10 =	sld [smem:$0x3FB1];
	_ =	sdelay $0x3  }
0x33: {  	p0 =	seq.s32 s10, $0x1;
	s10 =	sld [smem:$0x3FB3];
	_ =	sdelay $0x3  }
0x34: {  	[smem:$0x3FB3] =	sst s10  }
0x35: {  	s10 =	sld [smem:$0x3FB2];
	_ =	sdelay $0x3  }
0x36: {  	p1 =	seq.s32 s10, $0x1;
	s10 =	sld [smem:$0x3FB3];
	_ =	sdelay $0x3  }
0x37: {  	[smem:$0x3FB3] =	sst s10  }
0x38: {  	s10 =	sld [smem:$0x3FB4]  }
0x39: {  	_ = 	snop;
	(pc) =	sbr.ind lr, $3  }
0x3a: {  	_ = 	snop  }
0x3b: {  	_ = 	snop  }
0x3c: {  	p2 =	seq.s32 s10, $0x1;
	s10 =	sld [smem:$0x3FB3]  }
0x3d: {  	_ =	shalt  }
0x3e: {  	_ =	shalt  }
0x3f: {  	_ =	shalt  }
0x40: {  	_ =	shalt  }
0x41: {  	_ =	shalt  }
0x42: {  	_ =	shalt  }
0x43: {  	_ =	shalt  }
0x44: {  	_ =	shalt  }
0x45: {  	_ =	shalt  }
0x46: {  	_ =	shalt  }
0x47: {  	_ =	shalt  }
0x48: {  	_ =	shalt  }
0x49: {  	_ =	shalt  }
0x4a: {  	_ =	shalt  }
0x4b: {  	_ =	shalt  }
0x4c: {  	_ =	shalt  }
0x4d: {  	_ =	shalt  }
0x4e: {  	_ =	shalt  }
0x4f: {  	_ =	shalt  }
0x50: {  	_ =	shalt  }
0x51: {  	_ =	shalt  }
0x52: {  	_ =	shalt  }
0x53: {  	_ =	shalt  }
0x54: {  	_ =	shalt  }
0x55: {  	_ =	shalt  }
0x56: {  	_ =	shalt  }
0x57: {  	_ =	shalt  }
0x58: {  	_ =	shalt  }
0x59: {  	_ =	shalt  }
0x5a: {  	_ =	shalt  }
0x5b: {  	_ =	shalt  }
0x5c: {  	_ =	shalt  }
0x5d: {  	_ =	shalt  }
0x5e: {  	_ =	shalt  }
0x5f: {  	_ =	shalt  }
0x60: {  	_ =	shalt  }
0x61: {  	_ =	shalt  }
0x62: {  	_ =	shalt  }
0x63: {  	_ =	shalt  }
0x64: {  	_ =	shalt  }
0x65: {  	_ =	shalt  }
0x66: {  	_ =	shalt  }
0x67: {  	_ =	shalt  }
0x68: {  	_ =	shalt  }
0x69: {  	_ =	shalt  }
0x6a: {  	_ =	shalt  }
0x6b: {  	_ =	shalt  }
0x6c: {  	_ =	shalt  }
0x6d: {  	_ =	shalt  }
0x6e: {  	_ =	shalt  }
0x6f: {  	_ =	shalt  }
0x70: {  	_ =	shalt  }
0x71: {  	_ =	shalt  }
0x72: {  	_ =	shalt  }
0x73: {  	_ =	shalt  }
0x74: {  	_ =	shalt  }
0x75: {  	_ =	shalt  }
0x76: {  	_ =	shalt  }
0x77: {  	_ =	shalt  }
0x78: {  	_ =	shalt  }
0x79: {  	_ =	shalt  }
0x7a: {  	_ =	shalt  }
0x7b: {  	_ =	shalt  }
0x7c: {  	_ =	shalt  }
0x7d: {  	_ =	shalt  }
0x7e: {  	_ =	shalt  }
0x7f: {  	_ =	shalt  }
0x80: {  	_ =	shalt  }
0x81: {  	_ =	shalt  }
0x82: {  	_ =	shalt  }
0x83: {  	_ =	shalt  }
0x84: {  	_ =	shalt  }
0x85: {  	_ =	shalt  }
0x86: {  	_ =	shalt  }
0x87: {  	_ =	shalt  }
.Lfunc_end0:
.L_simem_size_0:
called_computation_lowered:
.L_overlay_start_0:
0x88: {  	s2 =	sld [smem:$0x3FD9]  }
0x89: {  	s3 =	sld [smem:$0x3FFE];
	_ =	sdelay $0x1  }
0x8a: {  	s1 =	srdreg.scid  }
0x8b: {  	s0 =	sand.u32 $0x1, s1  }
0x8c: {  	s16 =	sshll.u32 s0, $0xA;
	s2 =	sadd.s32 s3, s2  }
0x8d: {  	s2 =	sadd.s32 s2, s16  }
0x8e: {  	[smem:$0x3FBF] =	sst s2  }
0x8f: {  	_ = 	snop  }
0x90: {  	(tm) =	ssettm $0x1  }
0x91: {  	s17 =	sld [smem:$0x3FFB];
	_ =	sdelay $0x3  }
0x92: {  	_ =	strace s17  }
0x93: {  	s2 =	sld [smem:$0x3FFC];
	_ =	sdelay $0x3  }
0x94: {  	_ =	strace s2  }
0x95: {  	s2 =	sld [smem:$0x3FFD];
	_ =	sdelay $0x3  }
0x96: {  	_ =	strace s2  }
0x97: {  	_ =	strace $0x8FFFFFFF  }
0x98: {  	s18 =	sld [smem:$0x3FDB];
	_ =	sdelay $0x1  }
0x99: {  	s19 =	simm.s32 $_scs_section_size  }
0x9a: {  	s4 =	simm.s32 $_size__tile_overlayer_lowered;
	s5 =	simm.s32 $_tile_overlayer_lowered  }
0x9b: {  	s22 =	simm.s32 $0x1BFF;
	s21 =	sshll.u32 s5, $0x1;
	s2 =	sadd.s32 s19, s18  }
0x9c: {  	s6 =	simm.s32 $0x0;
	s20 =	sshll.u32 s4, $0x1;
	s4 =	sadd.s32 s21, s2  }
0x9d: {  	[timem:s6], [sflag:s22] =	dma.local [hbm:s4], s20  }
0x9e: {  	_ =	swait.ge [sflag:s22], s20  }
0x9f: {  	s3 =	ssub.s32 $0x0, s20;
	[sflag:s22] =	ssyncset.done $0x0  }
0xa0: {  	[sflag:s22] =	ssyncadd.s32 s3;
	_ =	sdelay $0x1  }
0xa1: {  	s23 =	simm.s32 $0x1B8B  }
0xa2: {  	_ =	swait.ge [sflag:s23], $0x1  }
0xa3: {  	[sflag:s23] =	ssyncset.done $0x0  }
0xa4: {  	s25 =	simm.s32 $0x1B8E;
	s24 =	sld [smem:$0x3FFE];
	[sflag:s23] =	ssyncadd.s32 $0xFFFFFFFF  }
0xa5: {  	s26 =	simm.s32 $execute0_lowered;
	[smem:$0x3FD2] =	sst s25  }
0xa6: {  	s4 =	sshll.u32 s26, $0x1;
	_ =	strace $0x80000046;
	[dreg:$0x1] =	wrdreg $0xFFFFFFFF  }
0xa7: {  	s28 =	simm.s32 $_size_execute0_lowered;
	s2 =	sadd.s32 s2, s4;
	[dreg:$0x0] =	wrdreg $0x0  }
0xa8: {  	s4 =	sshll.u32 s28, $0x1;
	[dreg:$0x2] =	wrdreg s2  }
0xa9: {  	[dreg:$0x3] =	wrdreg s4  }
0xaa: {  	[dreg:$0x4] =	wrdreg $0xC0  }
0xab: {  	_ =	task [dreg:s6], $0x5FFFF  }
0xac: {  	[dreg:$0x1] =	wrdreg $0xFFFFFFFF  }
0xad: {  	[dreg:$0x0] =	wrdreg $0x60  }
0xae: {  	[dreg:$0x2] =	wrdreg s24  }
0xaf: {  	[dreg:$0x3] =	wrdreg $0x0  }
0xb0: {  	[dreg:$0x4] =	wrdreg $0x9  }
0xb1: {  	_ =	task.clear_ibuf [dreg:s6], $0x5FFFF;
	_ =	strace $0x90000046  }
0xb2: {  	s29 =	simm.s32 $0x9;
	_ =	strace $0x80000048  }
0xb3: {  	_ =	swait.ge [sflag:s29], $0x1  }
0xb4: {  	[sflag:s29] =	ssyncadd.s32 $0xFFFFFFFF  }
0xb5: {  	_ =	strace $0x90000048  }
0xb6: {  	_ =	sfence  }
0xb7: {  	s30 =	sld [smem:$0x0];
	_ =	sdelay $0x2  }
0xb8: {  	s31 =	sshll.u32 s1, $0xD;
	s1 =	sshrl.u32 s1, $0x2  }
0xb9: {  	s3 =	sand.u32 $0x4000, s31;
	s1 =	sadd.s32 s1, s30  }
0xba: {  	s0 =	sor.u32 s3, s0;
	s1 =	sshll.u32 s1, $0x11  }
0xbb: {  	s0 =	sor.u32 s1, s0  }
0xbc: {  	s0 =	sadd.s32 $0x8F2B, s0  }
0xbd: {  	[sflag:s0] =	ssyncadd.remote.s32 $0x1  }
0xbe: {  	_ =	sfence.sel $0xFFFF  }
0xbf: {  	[dreg:$0x0] =	wrdreg $0xFFFFFFFF;
	(pc) =	sbr.abs _section_cstart, $3  }
0xc0: {  	[dreg:$0x1] =	wrdreg $0xFFFFFFFF  }
0xc1: {  	_ =	task.clear_ibuf [dreg:s6], $0x2FFFF;
	_ =	strace $0x9FFFFFFF  }
0xc2: {  	(tm) =	ssettm $0x7FFFFFFF  }
0xc3: {  	_ =	shalt  }
tec
execute0_lowered:
.L_overlay_start_1:
0x0: {  	(tag) =	ssettag $0x1  }
0x1: {  	s12 =	rddreg [dreg:$0x0]  }
0x2: {  	s6 =	rddreg [dreg:$0x1]  }
0x3: {  	s0 =	rddreg [dreg:$0x2]  }
0x4: {  	s2 =	srdreg.scid;
	s1 =	simm.s32 $0x0;
	s7 =	stileid.u32  }
0x5: {  	s5 =	simm.s32 $0x1;
	s13 =	sand.u32 $0x1, s2;
	s14 =	smul.u32 $0x9C00, s7  }
0x6: {  	[smem:$0x7FF] =	sst s1;
	s3 =	sshll.u32 s7, $0x6;
	s2 =	sshll.u32 s13, $0x4  }
0x7: {  	_ =	strace $0x80000047;
	s3 =	sor.u32 $0x1C01, s3;
	s4 =	sadd.s32 s14, s6  }
0x8: {  	s8 =	sor.u32 s7, s2;
	s2 =	sadd.s32 $0x15A00, s12;
	s4 =	sshrl.u32 s4, $0x3  }
0x9: {  	[spmem:s4], [sflag:s3] =	dma.local [hbm:s2], $0x1380  }
0xa: {  	p0 =	sne.s32 s7, $0x0;
	_ =	swait.ge [sflag:s5], $0x1380  }
0xb: {  	s6 =	sadd.s32 $0x9C000, s6;
	s8 =	smul.u32 $0x500, s8;
	[sflag:s5] =	ssyncset.done $0x0  }
0xc: {  	s7 =	sshrl.u32 @!p0 s6, $0x3;
	s6 =	simm.s32 @!p0 $0x1;
	[sflag:s5] =	ssyncadd.s32 $0xFFFFEC80  }
0xd: {  	[spmem:s7], [sflag:s3] =	dma.local @!p0 [hbm:s2], $0x80  }
0xe: {  	_ =	swait.ge @!p0 [sflag:s6], $0x80  }
0xf: {  	s10 =	sadd.s32 s8, s12;
	[sflag:s6] =	ssyncset.done @!p0 $0x0  }
0x10: {  	s9 =	simm.s32 $0x9C40;
	s8 =	sadd.s32 $0xBA00, s10;
	[sflag:s6] =	ssyncadd.s32 @!p0 $0xFFFFFF80  }
0x11: {  	[tilespmem:s9], [sflag:$0x1] =	stream.linear.gather [hbm4b:s8+s1], $0x2800, $0x38;
	[tilespmem:$0xEC40] =	vst v63  }
0x12: {  	_ =	swait.ge [sflag:s5], $0x2800  }
0x13: {  	[sflag:s5] =	ssyncset.done $0x0  }
0x14: {  	s11 =	simm.s32 $0xC440;
	s10 =	sadd.s32 $0x1A00, s10;
	[sflag:s5] =	ssyncadd.s32 $0xFFFFD800  }
0x15: {  	[tilespmem:s11], [sflag:$0x1] =	stream.linear.gather [hbm4b:s10+s1], $0x2800, $0x38;
	[tilespmem:$0xEC40] =	vst v63  }
0x16: {  	s15 =	smul.u32 $0x13880, s13;
	s13 =	ssub.s32 $0x2, s13;
	_ =	swait.ge [sflag:s5], $0x2800  }
0x17: {  	s30 =	sshrl.u32 s14, $0x3;
	s31 =	sshrl.u32 s13, $0x1;
	[sflag:s5] =	ssyncset.done $0x0  }
0x18: {  	s13 =	ssub.s32 s13, s31;
	s12 =	sadd.s32 s15, s12;
	[sflag:s5] =	ssyncadd.s32 $0xFFFFD800  }
0x19: {  	s14 =	smax.u32 s13, $0x1;
	s15 =	sadd.s32 $0x16E00, s12;
	[bflag:$0x0] =	sbarrier.arrive $0xFFFF  }
0x1a: {  	s14 =	sadd.s32 $0xFFFFFFFF, s14;
	s12 =	sadd.s32 s30, s15;
	[bflag:$0x0] =	sbarrier.arrive $0xFFFF  }
0x1b: {  	[hbm:s12], [sflag:s3] =	dma.local [spmem:s4], $0x1380  }
0x1c: {  	p1 =	sne.s32 s14, $0x0;
	_ =	swait.ge [sflag:s5], $0x1380  }
.Ltmp0:
0x1d: {  	[sflag:s5] =	ssyncset.done $0x0;
	(pc) =	sbr.rel @!p1 .LBB2_2-.Ltmp0, $4  }
0x1e: {  	s13 =	sadd.s32 @!p0 $0x13800, s15;
	[sflag:s5] =	ssyncadd.s32 $0xFFFFEC80  }
0x1f: {  	[hbm:s13], [sflag:s3] =	dma.local @!p0 [spmem:s7], $0x80  }
0x20: {  	_ =	swait.ge @!p0 [sflag:s6], $0x80  }
0x21: {  	[sflag:s6] =	ssyncset.done @!p0 $0x0  }
.LBB2_1:
0x22: {  	s14 =	sadd.s32 $0xFFFFFFFF, s14;
	[sflag:s6] =	ssyncadd.s32 @!p0 $0xFFFFFF80  }
0x23: {  	[spmem:s4], [sflag:s3] =	dma.local [hbm:s2], $0x1380  }
0x24: {  	p1 =	sne.s32 s14, $0x0;
	_ =	swait.ge [sflag:s5], $0x1380  }
0x25: {  	[sflag:s5] =	ssyncset.done $0x0  }
0x26: {  	[sflag:s5] =	ssyncadd.s32 $0xFFFFEC80  }
0x27: {  	[spmem:s7], [sflag:s3] =	dma.local @!p0 [hbm:s2], $0x80  }
0x28: {  	_ =	swait.ge @!p0 [sflag:s6], $0x80  }
0x29: {  	[sflag:s6] =	ssyncset.done @!p0 $0x0  }
0x2a: {  	[sflag:s6] =	ssyncadd.s32 @!p0 $0xFFFFFF80  }
0x2b: {  	[tilespmem:s9], [sflag:$0x1] =	stream.linear.gather [hbm4b:s8+s1], $0x2800, $0x38;
	[tilespmem:$0xEC40] =	vst v63  }
0x2c: {  	_ =	swait.ge [sflag:s5], $0x2800  }
0x2d: {  	[sflag:s5] =	ssyncset.done $0x0  }
0x2e: {  	[sflag:s5] =	ssyncadd.s32 $0xFFFFD800  }
0x2f: {  	[tilespmem:s11], [sflag:$0x1] =	stream.linear.gather [hbm4b:s10+s1], $0x2800, $0x38;
	[tilespmem:$0xEC40] =	vst v63  }
0x30: {  	_ =	swait.ge [sflag:s5], $0x2800  }
0x31: {  	[sflag:s5] =	ssyncset.done $0x0  }
0x32: {  	[sflag:s5] =	ssyncadd.s32 $0xFFFFD800  }
0x33: {  	[bflag:$0x0] =	sbarrier.arrive $0xFFFF  }
0x34: {  	[bflag:$0x0] =	sbarrier.arrive $0xFFFF  }
0x35: {  	[hbm:s12], [sflag:s3] =	dma.local [spmem:s4], $0x1380  }
0x36: {  	_ =	swait.ge [sflag:s5], $0x1380  }
.Ltmp1:
0x37: {  	[sflag:s5] =	ssyncset.done $0x0;
	(pc) =	sbr.rel @p1 .LBB2_1-.Ltmp1, $4  }
0x38: {  	[sflag:s5] =	ssyncadd.s32 $0xFFFFEC80  }
0x39: {  	[hbm:s13], [sflag:s3] =	dma.local @!p0 [spmem:s7], $0x80  }
0x3a: {  	_ =	swait.ge @!p0 [sflag:s6], $0x80  }
0x3b: {  	[sflag:s6] =	ssyncset.done @!p0 $0x0  }
.LBB2_2:
0x3c: {  	[sflag:s6] =	ssyncadd.s32 @!p0 $0xFFFFFF80  }
0x3d: {  	_ =	sfence.sel $0x180000  }
0x3e: {  	[bflag:$0x0] =	sbarrier.arrive $0xFFFF  }
0x3f: {  	_ =	strace $0x90000047  }
0x40: {  	s0 =	sadd.s32 @!p0 $0x100000, s0;
	[bflag:$0x2] =	sbarrier.arrive $0xFFFF  }
0x41: {  	[sflag:s0] =	ssyncadd.tile.s32 @!p0 $0x1;
	_ =	shalt  }
.Lfunc_end2:
_tile_overlayer_lowered:
.L_overlay_start_2:
0x42: {  	(tag) =	ssettag $0x2  }
0x43: {  	s0 =	rddreg [dreg:$0x0];
	s2 =	stileid.u32  }
0x44: {  	s1 =	rddreg [dreg:$0x1];
	p0 =	sne.s32 s2, $0x0  }
0x45: {  	s3 =	rddreg [dreg:$0x2];
	[bflag:$0x3] =	sbarrier.arrive $0xFFFF;
	s2 =	simm.s32 @!p0 $0x1C01  }
0x46: {  	[timem:s3], [sflag:s2] =	dma.local @!p0 [hbm:s0], s1  }
0x47: {  	s0 =	simm.s32 @!p0 $0x1  }
0x48: {  	_ =	swait.ge @!p0 [sflag:s0], s1  }
0x49: {  	s1 =	ssub.s32 @!p0 $0x0, s1;
	[sflag:s0] =	ssyncset.done @!p0 $0x0  }
0x4a: {  	[sflag:s0] =	ssyncadd.s32 @!p0 s1  }
0x4b: {  	[bflag:$0x3] =	sbarrier.arrive $0xFFFF  }
0x4c: {  	_ =	shalt  }

</sc_bundles>
